<compile_context>
chip_gen: v7x
topology: tpu7x:2x2x1
jax: 0.10.2.dev20260603
libtpu: 0.0.44.dev20260713+nightly
codegen_flags: <defaults>
</compile_context>

<pallas_src>
import functools

import jax
import jax.numpy as jnp
from jax import lax
from jax.experimental import pallas as pl
from jax.experimental.pallas import tpu as pltpu
from jax.experimental.pallas import tpu_sc as plsc

_NEG = -1e30
_HS = (0, 1, 62, 63)
_POS = {0: 0, 1: 1, 62: 2, 63: 3}
_EXCL = {0: (62, 63), 1: (0, 63), 2: (0, 1)}


def _border_mask(H, W):
    pos = jnp.arange(H * W)
    rm = (pos[None, :] // W == jnp.arange(H)[:, None]).astype(jnp.float32)
    cm = (pos[None, :] % W == jnp.arange(W)[:, None]).astype(jnp.float32)
    hs = jnp.asarray(_HS)
    tgt = (hs[:, None] * W + hs[None, :]).reshape(16, 1)
    em = (pos[None, :] == tgt).astype(jnp.float32)
    z = jnp.zeros((256 - H - W - 16, H * W), jnp.float32)
    return jnp.concatenate([rm, cm, em, z], axis=0)


def _gating_body(x_ref, mask_ref, w3_ref, bias_ref, out_ref, tvt_ref,
                 tidx_ref):
    b = pl.program_id(0)
    xb = x_ref[0].astype(jnp.bfloat16)
    g = jnp.dot(mask_ref[...], xb,
                preferred_element_type=jnp.float32)
    tot = jnp.sum(g[0:64, :], axis=0, keepdims=True)

    def rrow(h):
        return g[h:h + 1, :]

    def crow(w):
        return g[64 + w:65 + w, :]

    def erow(i, j):
        k = 128 + 4 * i + j
        return g[k:k + 1, :]

    acc = jnp.zeros((1, 128), jnp.float32)
    for kh in range(3):
        r0, r1 = _EXCL[kh]
        p0, p1 = _POS[r0], _POS[r1]
        rsum = rrow(r0) + rrow(r1)
        for kw in range(3):
            c0, c1 = _EXCL[kw]
            q0, q1 = _POS[c0], _POS[c1]
            csum = crow(c0) + crow(c1)
            xsum = (erow(p0, q0) + erow(p0, q1)
                    + erow(p1, q0) + erow(p1, q1))
            s = tot - rsum - csum + xsum
            k = kh * 3 + kw
            acc = acc + jnp.dot(s, w3_ref[k],
                                preferred_element_type=jnp.float32,
                                precision=lax.Precision.HIGHEST)
    row = acc + bias_ref[...]
    out_ref[pl.ds(b, 1), :] = row
    m = jnp.max(row)
    p = jnp.exp(row - m)
    tv = 1.0 / jnp.sum(p)
    iota = lax.broadcasted_iota(jnp.int32, (1, 128), 1)
    t = jnp.min(jnp.where(row == m, iota, 128))
    tvt_ref[pl.ds(b, 1), :] = jnp.full((1, 128), tv, jnp.float32)
    tidx_ref[pl.ds(b, 1), :] = jnp.full((1, 128), t, jnp.int32)


def _gating_logits(xt, mask, w3, bias2):
    B, HW, C = xt.shape
    return pl.pallas_call(
        _gating_body,
        grid=(B,),
        in_specs=[
            pl.BlockSpec((1, HW, C), lambda b: (b, 0, 0)),
            pl.BlockSpec((256, HW), lambda b: (0, 0)),
            pl.BlockSpec((9, C, 128), lambda b: (0, 0, 0)),
            pl.BlockSpec((1, 128), lambda b: (0, 0)),
        ],
        out_specs=[
            pl.BlockSpec((B, 128), lambda b: (0, 0)),
            pl.BlockSpec((B, 128), lambda b: (0, 0)),
            pl.BlockSpec((B, 128), lambda b: (0, 0)),
        ],
        out_shape=[
            jax.ShapeDtypeStruct((B, 128), jnp.float32),
            jax.ShapeDtypeStruct((B, 128), jnp.float32),
            jax.ShapeDtypeStruct((B, 128), jnp.int32),
        ],
    )(xt, mask, w3, bias2)


def _shuffle(v, iota, sh):
    return v.at[iota ^ sh].get(mode="promise_in_bounds")


def _sc_route(logits, B):
    info = plsc.get_sparse_core_info()
    mesh = plsc.VectorSubcoreMesh(core_axis_name="c", subcore_axis_name="s")

    @functools.partial(
        pl.kernel,
        mesh=mesh,
        out_type=jax.ShapeDtypeStruct((B, 16), jnp.float32),
        scratch_types=[
            pltpu.VMEM((16,), jnp.float32),
            pltpu.VMEM((16,), jnp.float32),
        ],
    )
    def run(logits_hbm, ew_out, lbuf, ebuf):
        cid = lax.axis_index("c")
        sid = lax.axis_index("s")
        wid = sid * info.num_cores + cid
        b = wid

        @pl.when(wid < B)
        def _():
            pltpu.sync_copy(logits_hbm.at[b, pl.ds(0, 16)], lbuf)
            l = lbuf[...]
            iota = lax.iota(jnp.int32, 16)
            m = l
            for sh in (1, 2, 4, 8):
                m = jnp.maximum(m, _shuffle(m, iota, sh))
            p = jnp.exp(l - m)
            s = p
            for sh in (1, 2, 4, 8):
                s = s + _shuffle(s, iota, sh)
            tv = 1.0 / s
            t = jnp.where(l == m, iota, 16)
            for sh in (1, 2, 4, 8):
                t = jnp.minimum(t, _shuffle(t, iota, sh))
            ebuf[...] = jnp.where(iota == t, tv, 0.0)
            pltpu.sync_copy(ebuf, ew_out.at[b])

    return run(logits)


def _apply_body(wet_ref, x_ref, be_ref, tvt_ref, tidx_ref, out_ref):
    b = pl.program_id(0)
    tv = jnp.max(tvt_ref[pl.ds(b, 1), :])
    t = jnp.max(tidx_ref[pl.ds(b, 1), :])
    m = wet_ref[t]
    bias = be_ref[pl.ds(t, 1), :]
    acc = jnp.dot(x_ref[0], m, preferred_element_type=jnp.float32)
    out_ref[0] = tv * (acc + bias)


def _apply(WeT, xt, be, tvt, tidx):
    B, HW, C = xt.shape
    E = WeT.shape[0]
    return pl.pallas_call(
        _apply_body,
        grid=(B,),
        in_specs=[
            pl.BlockSpec((E, C, C), lambda b: (0, 0, 0)),
            pl.BlockSpec((1, HW, C), lambda b: (b, 0, 0)),
            pl.BlockSpec((E, C), lambda b: (0, 0)),
            pl.BlockSpec((B, 128), lambda b: (0, 0)),
            pl.BlockSpec((B, 128), lambda b: (0, 0)),
        ],
        out_specs=pl.BlockSpec((1, HW, C), lambda b: (b, 0, 0)),
        out_shape=jax.ShapeDtypeStruct((B, HW, C), jnp.float32),
    )(WeT, xt, be, tvt, tidx)


def kernel(x, Wg, bg, We, be):
    B, C, H, W = x.shape
    E = Wg.shape[0]
    npos = float((H - 2) * (W - 2))

    wg_r = Wg.astype(jnp.bfloat16).astype(jnp.float32)
    w3 = jnp.pad(jnp.transpose(wg_r, (2, 3, 1, 0)).reshape(9, C, E),
                 ((0, 0), (0, 0), (0, 128 - E)))
    bias2 = jnp.concatenate(
        [bg * npos, jnp.full((128 - E,), _NEG, jnp.float32)]).reshape(1, 128)
    mask = _border_mask(H, W).astype(jnp.bfloat16)
    WeT = jnp.transpose(We, (0, 2, 1))

    xt = jnp.transpose(x, (0, 2, 3, 1)).reshape(B, H * W, C)
    logits, tvt, tidx = _gating_logits(xt, mask, w3, bias2)
    ew16 = _sc_route(logits, B)
    y = _apply(WeT, xt, be, tvt, tidx)
    out = jnp.transpose(y.reshape(B, H, W, C), (0, 3, 1, 2))
    return out, ew16[:, :E]

# --- scband reference (transcript-rebuilt; emitter-appended) ---
"""Pipeline reference for scband-top-knonlinear-mix-gate-8091718385705 (READ-ONLY COPY).

The authoritative reference and input builder live on the scoring server;
editing this copy changes nothing except your own understanding.
"""

import jax, jax.numpy as jnp
import numpy as np

B, C, H, W = 8, 128, 64, 64
E = 8

def setup_inputs(seed: int = 0) -> dict:
    key = jax.random.key(seed)
    k1, k2, k3, k4 = jax.random.split(key, 4)
    x = jax.random.normal(k1, (B, C, H, W), dtype=jnp.float32)
    Wg = jax.random.normal(k2, (E, C, 3, 3), dtype=jnp.float32) * (1.0 / float(np.sqrt(C * 9)))
    bg = jnp.zeros((E,), dtype=jnp.float32)
    We = jax.random.normal(k3, (E, C, C), dtype=jnp.float32) * (1.0 / float(np.sqrt(C)))
    be = jnp.zeros((E, C), dtype=jnp.float32)
    return {"x": x, "Wg": Wg, "bg": bg, "We": We, "be": be}

def reference(x, Wg, bg, We, be):
    # gating_nn: Conv2d(C, E, kernel_size=3, stride=1), VALID padding
    g = jax.lax.conv_general_dilated(x, Wg, window_strides=(1, 1), padding='VALID',
                                     dimension_numbers=('NCHW', 'OIHW', 'NCHW'))
    g = g + bg[None, :, None, None]
    # sum over spatial dims (dim 2 twice in torch)
    gating_code = jnp.sum(jnp.sum(g, axis=2), axis=2)  # [B, E]
    # training=False so no rand noise added
    gc = jax.nn.softmax(gating_code, axis=1)
    top_vals, top_idx = jax.lax.top_k(gc, 1)  # top1
    top_vals = top_vals[:, 0]
    top_idx = top_idx[:, 0]
    oh = jax.nn.one_hot(top_idx, E, dtype=gc.dtype)  # [B, E]
    mask_flat = jnp.sum(oh, axis=-1)  # [B]
    combine = top_vals[:, None, None] * mask_flat[:, None, None] * oh[:, :, None]  # [B, E, 1]
    dispatch = (combine != 0).astype(combine.dtype)  # bool().to(...)
    expert_weights = combine[:, :, 0]  # [B, E]
    # hard dispatch: einsum('bjkd,ben->ebjkd', x, dispatch)
    expert_inputs = jnp.einsum('bjkd,ben->ebjkd', x, dispatch)  # [E, B, C, H, W]
    # experts: per-expert 1x1 conv (C->C) with bias
    expert_out = jnp.einsum('ebchw,eoc->ebohw', expert_inputs, We) + be[:, None, :, None, None]
    output = jnp.einsum('ij,ji...->i...', expert_weights, expert_out)  # [B, C, H, W]
    return output, expert_weights

if __name__ == "__main__":
    import jax
    _d = setup_inputs()
    print(jax.jit(kernel)(*tuple(_d.values())))

</pallas_src>

<mosaic_0001>
#map = affine_map<(d0, d1) -> (0, 0)>
module attributes {stable_mosaic.version = 14 : i64} {
  func.func @run(%arg0: i32, %arg1: i32, %arg2: memref<8x128xf32, #tpu.memory_space<hbm>>, %arg3: memref<8x16xf32, #tpu.memory_space<hbm>>, %arg4: memref<16xf32, #tpu.memory_space<vmem>>, %arg5: memref<16xf32, #tpu.memory_space<vmem>>) attributes {dimension_semantics = [#tpu.dimension_semantics<core_parallel>, #tpu.dimension_semantics<subcore_parallel>], iteration_bounds = array<i64: 2, 16>, scalar_prefetch = 0 : i64, scratch_operands = 2 : i64, tpu.core_type = #tpu.core_type<sc_vector_subcore>, window_params = [{transform_indices = #map}, {transform_indices = #map}]} {
    %mul3A = arith.constant 2 : i32
    %mul3A_0 = arith.muli %arg1, %mul3A : i32
    %add3A = arith.addi %mul3A_0, %arg0 : i32
    %lt3A = arith.constant 8 : i32
    %lt3A_1 = arith.cmpi slt, %add3A, %lt3A : i32
    %convert_element_type3A = arith.extui %lt3A_1 : i1 to i32
    %cond3A = arith.constant 0 : i32
    %cond3A_2 = arith.cmpi ne, %convert_element_type3A, %cond3A : i32
    scf.if %cond3A_2 {
      "tpu.region"() ({
        %run_scoped3A = tpu.sem_alloc : memref<!tpu.dma_semaphore, #tpu.memory_space<semaphore_mem>>
        %dma_start3A = arith.constant 0 : i32
        %dma_start3A_178 = tpu.memref_slice %arg2[%add3A, %dma_start3A] : memref<8x128xf32, #tpu.memory_space<hbm>> -> memref<1x16xf32, #tpu.memory_space<hbm>>
        %dma_start3A_179 = tpu.memref_squeeze %dma_start3A_178 : memref<1x16xf32, #tpu.memory_space<hbm>> -> memref<16xf32, #tpu.memory_space<hbm>>
        %dma_start3A_180 = arith.constant 0 : i32
        %dma_start3A_181 = tpu.memref_slice %arg2[%add3A, %dma_start3A_180] : memref<8x128xf32, #tpu.memory_space<hbm>> -> memref<1x16xf32, #tpu.memory_space<hbm>>
        %dma_start3A_182 = tpu.memref_squeeze %dma_start3A_181 : memref<1x16xf32, #tpu.memory_space<hbm>> -> memref<16xf32, #tpu.memory_space<hbm>>
        tpu.enqueue_dma source(%dma_start3A_182 : memref<16xf32, #tpu.memory_space<hbm>>) target(%arg4 : memref<16xf32, #tpu.memory_space<vmem>>) target_semaphore(%run_scoped3A : memref<!tpu.dma_semaphore, #tpu.memory_space<semaphore_mem>>)
        %dma_wait3A = arith.constant 0 : i32
        %dma_wait3A_183 = tpu.memref_slice %arg2[%add3A, %dma_wait3A] : memref<8x128xf32, #tpu.memory_space<hbm>> -> memref<1x16xf32, #tpu.memory_space<hbm>>
        %dma_wait3A_184 = tpu.memref_squeeze %dma_wait3A_183 : memref<1x16xf32, #tpu.memory_space<hbm>> -> memref<16xf32, #tpu.memory_space<hbm>>
        %dma_wait3A_185 = arith.constant 0 : i32
        %dma_wait3A_186 = tpu.memref_slice %arg2[%add3A, %dma_wait3A_185] : memref<8x128xf32, #tpu.memory_space<hbm>> -> memref<1x16xf32, #tpu.memory_space<hbm>>
        %dma_wait3A_187 = tpu.memref_squeeze %dma_wait3A_186 : memref<1x16xf32, #tpu.memory_space<hbm>> -> memref<16xf32, #tpu.memory_space<hbm>>
        tpu.wait_dma2 semaphore(%run_scoped3A : memref<!tpu.dma_semaphore, #tpu.memory_space<semaphore_mem>>) src(%dma_wait3A_187 : memref<16xf32, #tpu.memory_space<hbm>>) dst(%arg4 : memref<16xf32, #tpu.memory_space<vmem>>)
        tpu.yield
      }) : () -> ()
      %get3A = arith.constant 0 : index
      %get3A_3 = tpu.vector_load %arg4[%get3A] {strides = array<i32>} : memref<16xf32, #tpu.memory_space<vmem>>, vector<16xf32>,
      %get3A_4 = vector.shape_cast %get3A_3 : vector<16xf32> to vector<16xf32>
      %iota3A = tpu.iota {dimensions = array<i32: 0>} : vector<16xi32>
      %xor3A = arith.constant 1 : i32
      %xor3A_5 = vector.broadcast %xor3A : i32 to vector<16xi32>
      %xor3A_6 = arith.xori %iota3A, %xor3A_5 : vector<16xi32>
      %lt3A_7 = arith.constant 0 : i32
      %lt3A_8 = vector.broadcast %lt3A_7 : i32 to vector<16xi32>
      %lt3A_9 = arith.cmpi slt, %xor3A_6, %lt3A_8 : vector<16xi32>
      %add3A_10 = arith.constant 16 : i32
      %add3A_11 = vector.broadcast %add3A_10 : i32 to vector<16xi32>
      %add3A_12 = arith.addi %xor3A_6, %add3A_11 : vector<16xi32>
      %select_n3A = arith.select %lt3A_9, %add3A_12, %xor3A_6 : vector<16xi1>, vector<16xi32>
      %broadcast_in_dim3A = vector.shape_cast %select_n3A : vector<16xi32> to vector<16x1xi32>
      %gather3A = vector.shape_cast %broadcast_in_dim3A : vector<16x1xi32> to vector<16xi32>
      %gather3A_13 = tpu.dynamic_gather %get3A_4[%gather3A] in [0] : vector<16xf32>, vector<16xi32> -> vector<16xf32>
      %max3A = arith.maximumf %get3A_4, %gather3A_13 : vector<16xf32>
      %xor3A_14 = arith.constant 2 : i32
      %xor3A_15 = vector.broadcast %xor3A_14 : i32 to vector<16xi32>
      %xor3A_16 = arith.xori %iota3A, %xor3A_15 : vector<16xi32>
      %lt3A_17 = arith.constant 0 : i32
      %lt3A_18 = vector.broadcast %lt3A_17 : i32 to vector<16xi32>
      %lt3A_19 = arith.cmpi slt, %xor3A_16, %lt3A_18 : vector<16xi32>
      %add3A_20 = arith.constant 16 : i32
      %add3A_21 = vector.broadcast %add3A_20 : i32 to vector<16xi32>
      %add3A_22 = arith.addi %xor3A_16, %add3A_21 : vector<16xi32>
      %select_n3A_23 = arith.select %lt3A_19, %add3A_22, %xor3A_16 : vector<16xi1>, vector<16xi32>
      %broadcast_in_dim3A_24 = vector.shape_cast %select_n3A_23 : vector<16xi32> to vector<16x1xi32>
      %gather3A_25 = vector.shape_cast %broadcast_in_dim3A_24 : vector<16x1xi32> to vector<16xi32>
      %gather3A_26 = tpu.dynamic_gather %max3A[%gather3A_25] in [0] : vector<16xf32>, vector<16xi32> -> vector<16xf32>
      %max3A_27 = arith.maximumf %max3A, %gather3A_26 : vector<16xf32>
      %xor3A_28 = arith.constant 4 : i32
      %xor3A_29 = vector.broadcast %xor3A_28 : i32 to vector<16xi32>
      %xor3A_30 = arith.xori %iota3A, %xor3A_29 : vector<16xi32>
      %lt3A_31 = arith.constant 0 : i32
      %lt3A_32 = vector.broadcast %lt3A_31 : i32 to vector<16xi32>
      %lt3A_33 = arith.cmpi slt, %xor3A_30, %lt3A_32 : vector<16xi32>
      %add3A_34 = arith.constant 16 : i32
      %add3A_35 = vector.broadcast %add3A_34 : i32 to vector<16xi32>
      %add3A_36 = arith.addi %xor3A_30, %add3A_35 : vector<16xi32>
      %select_n3A_37 = arith.select %lt3A_33, %add3A_36, %xor3A_30 : vector<16xi1>, vector<16xi32>
      %broadcast_in_dim3A_38 = vector.shape_cast %select_n3A_37 : vector<16xi32> to vector<16x1xi32>
      %gather3A_39 = vector.shape_cast %broadcast_in_dim3A_38 : vector<16x1xi32> to vector<16xi32>
      %gather3A_40 = tpu.dynamic_gather %max3A_27[%gather3A_39] in [0] : vector<16xf32>, vector<16xi32> -> vector<16xf32>
      %max3A_41 = arith.maximumf %max3A_27, %gather3A_40 : vector<16xf32>
      %xor3A_42 = arith.constant 8 : i32
      %xor3A_43 = vector.broadcast %xor3A_42 : i32 to vector<16xi32>
      %xor3A_44 = arith.xori %iota3A, %xor3A_43 : vector<16xi32>
      %lt3A_45 = arith.constant 0 : i32
      %lt3A_46 = vector.broadcast %lt3A_45 : i32 to vector<16xi32>
      %lt3A_47 = arith.cmpi slt, %xor3A_44, %lt3A_46 : vector<16xi32>
      %add3A_48 = arith.constant 16 : i32
      %add3A_49 = vector.broadcast %add3A_48 : i32 to vector<16xi32>
      %add3A_50 = arith.addi %xor3A_44, %add3A_49 : vector<16xi32>
      %select_n3A_51 = arith.select %lt3A_47, %add3A_50, %xor3A_44 : vector<16xi1>, vector<16xi32>
      %broadcast_in_dim3A_52 = vector.shape_cast %select_n3A_51 : vector<16xi32> to vector<16x1xi32>
      %gather3A_53 = vector.shape_cast %broadcast_in_dim3A_52 : vector<16x1xi32> to vector<16xi32>
      %gather3A_54 = tpu.dynamic_gather %max3A_41[%gather3A_53] in [0] : vector<16xf32>, vector<16xi32> -> vector<16xf32>
      %max3A_55 = arith.maximumf %max3A_41, %gather3A_54 : vector<16xf32>
      %sub3A = arith.subf %get3A_4, %max3A_55 : vector<16xf32>
      %exp3A = math.exp %sub3A : vector<16xf32>
      %xor3A_56 = arith.constant 1 : i32
      %xor3A_57 = vector.broadcast %xor3A_56 : i32 to vector<16xi32>
      %xor3A_58 = arith.xori %iota3A, %xor3A_57 : vector<16xi32>
      %lt3A_59 = arith.constant 0 : i32
      %lt3A_60 = vector.broadcast %lt3A_59 : i32 to vector<16xi32>
      %lt3A_61 = arith.cmpi slt, %xor3A_58, %lt3A_60 : vector<16xi32>
      %add3A_62 = arith.constant 16 : i32
      %add3A_63 = vector.broadcast %add3A_62 : i32 to vector<16xi32>
      %add3A_64 = arith.addi %xor3A_58, %add3A_63 : vector<16xi32>
      %select_n3A_65 = arith.select %lt3A_61, %add3A_64, %xor3A_58 : vector<16xi1>, vector<16xi32>
      %broadcast_in_dim3A_66 = vector.shape_cast %select_n3A_65 : vector<16xi32> to vector<16x1xi32>
      %gather3A_67 = vector.shape_cast %broadcast_in_dim3A_66 : vector<16x1xi32> to vector<16xi32>
      %gather3A_68 = tpu.dynamic_gather %exp3A[%gather3A_67] in [0] : vector<16xf32>, vector<16xi32> -> vector<16xf32>
      %add3A_69 = arith.addf %exp3A, %gather3A_68 : vector<16xf32>
      %xor3A_70 = arith.constant 2 : i32
      %xor3A_71 = vector.broadcast %xor3A_70 : i32 to vector<16xi32>
      %xor3A_72 = arith.xori %iota3A, %xor3A_71 : vector<16xi32>
      %lt3A_73 = arith.constant 0 : i32
      %lt3A_74 = vector.broadcast %lt3A_73 : i32 to vector<16xi32>
      %lt3A_75 = arith.cmpi slt, %xor3A_72, %lt3A_74 : vector<16xi32>
      %add3A_76 = arith.constant 16 : i32
      %add3A_77 = vector.broadcast %add3A_76 : i32 to vector<16xi32>
      %add3A_78 = arith.addi %xor3A_72, %add3A_77 : vector<16xi32>
      %select_n3A_79 = arith.select %lt3A_75, %add3A_78, %xor3A_72 : vector<16xi1>, vector<16xi32>
      %broadcast_in_dim3A_80 = vector.shape_cast %select_n3A_79 : vector<16xi32> to vector<16x1xi32>
      %gather3A_81 = vector.shape_cast %broadcast_in_dim3A_80 : vector<16x1xi32> to vector<16xi32>
      %gather3A_82 = tpu.dynamic_gather %add3A_69[%gather3A_81] in [0] : vector<16xf32>, vector<16xi32> -> vector<16xf32>
      %add3A_83 = arith.addf %add3A_69, %gather3A_82 : vector<16xf32>
      %xor3A_84 = arith.constant 4 : i32
      %xor3A_85 = vector.broadcast %xor3A_84 : i32 to vector<16xi32>
      %xor3A_86 = arith.xori %iota3A, %xor3A_85 : vector<16xi32>
      %lt3A_87 = arith.constant 0 : i32
      %lt3A_88 = vector.broadcast %lt3A_87 : i32 to vector<16xi32>
      %lt3A_89 = arith.cmpi slt, %xor3A_86, %lt3A_88 : vector<16xi32>
      %add3A_90 = arith.constant 16 : i32
      %add3A_91 = vector.broadcast %add3A_90 : i32 to vector<16xi32>
      %add3A_92 = arith.addi %xor3A_86, %add3A_91 : vector<16xi32>
      %select_n3A_93 = arith.select %lt3A_89, %add3A_92, %xor3A_86 : vector<16xi1>, vector<16xi32>
      %broadcast_in_dim3A_94 = vector.shape_cast %select_n3A_93 : vector<16xi32> to vector<16x1xi32>
      %gather3A_95 = vector.shape_cast %broadcast_in_dim3A_94 : vector<16x1xi32> to vector<16xi32>
      %gather3A_96 = tpu.dynamic_gather %add3A_83[%gather3A_95] in [0] : vector<16xf32>, vector<16xi32> -> vector<16xf32>
      %add3A_97 = arith.addf %add3A_83, %gather3A_96 : vector<16xf32>
      %xor3A_98 = arith.constant 8 : i32
      %xor3A_99 = vector.broadcast %xor3A_98 : i32 to vector<16xi32>
      %xor3A_100 = arith.xori %iota3A, %xor3A_99 : vector<16xi32>
      %lt3A_101 = arith.constant 0 : i32
      %lt3A_102 = vector.broadcast %lt3A_101 : i32 to vector<16xi32>
      %lt3A_103 = arith.cmpi slt, %xor3A_100, %lt3A_102 : vector<16xi32>
      %add3A_104 = arith.constant 16 : i32
      %add3A_105 = vector.broadcast %add3A_104 : i32 to vector<16xi32>
      %add3A_106 = arith.addi %xor3A_100, %add3A_105 : vector<16xi32>
      %select_n3A_107 = arith.select %lt3A_103, %add3A_106, %xor3A_100 : vector<16xi1>, vector<16xi32>
      %broadcast_in_dim3A_108 = vector.shape_cast %select_n3A_107 : vector<16xi32> to vector<16x1xi32>
      %gather3A_109 = vector.shape_cast %broadcast_in_dim3A_108 : vector<16x1xi32> to vector<16xi32>
      %gather3A_110 = tpu.dynamic_gather %add3A_97[%gather3A_109] in [0] : vector<16xf32>, vector<16xi32> -> vector<16xf32>
      %add3A_111 = arith.addf %add3A_97, %gather3A_110 : vector<16xf32>
      %div3A = arith.constant 1.000000e+00 : f32
      %div3A_112 = vector.broadcast %div3A : f32 to vector<16xf32>
      %div3A_113 = arith.divf %div3A_112, %add3A_111 : vector<16xf32>
      %eq3A = arith.cmpf oeq, %get3A_4, %max3A_55 : vector<16xf32>
      %jit3A = arith.constant 16 : i32
      %broadcast_in_dim3A_114 = vector.broadcast %jit3A : i32 to vector<16xi32>
      %select_n3A_115 = arith.select %eq3A, %iota3A, %broadcast_in_dim3A_114 : vector<16xi1>, vector<16xi32>
      %xor3A_116 = arith.constant 1 : i32
      %xor3A_117 = vector.broadcast %xor3A_116 : i32 to vector<16xi32>
      %xor3A_118 = arith.xori %iota3A, %xor3A_117 : vector<16xi32>
      %lt3A_119 = arith.constant 0 : i32
      %lt3A_120 = vector.broadcast %lt3A_119 : i32 to vector<16xi32>
      %lt3A_121 = arith.cmpi slt, %xor3A_118, %lt3A_120 : vector<16xi32>
      %add3A_122 = arith.constant 16 : i32
      %add3A_123 = vector.broadcast %add3A_122 : i32 to vector<16xi32>
      %add3A_124 = arith.addi %xor3A_118, %add3A_123 : vector<16xi32>
      %select_n3A_125 = arith.select %lt3A_121, %add3A_124, %xor3A_118 : vector<16xi1>, vector<16xi32>
      %broadcast_in_dim3A_126 = vector.shape_cast %select_n3A_125 : vector<16xi32> to vector<16x1xi32>
      %gather3A_127 = vector.shape_cast %broadcast_in_dim3A_126 : vector<16x1xi32> to vector<16xi32>
      %gather3A_128 = tpu.dynamic_gather %select_n3A_115[%gather3A_127] in [0] : vector<16xi32>, vector<16xi32> -> vector<16xi32>
      %min3A = arith.minsi %select_n3A_115, %gather3A_128 : vector<16xi32>
      %xor3A_129 = arith.constant 2 : i32
      %xor3A_130 = vector.broadcast %xor3A_129 : i32 to vector<16xi32>
      %xor3A_131 = arith.xori %iota3A, %xor3A_130 : vector<16xi32>
      %lt3A_132 = arith.constant 0 : i32
      %lt3A_133 = vector.broadcast %lt3A_132 : i32 to vector<16xi32>
      %lt3A_134 = arith.cmpi slt, %xor3A_131, %lt3A_133 : vector<16xi32>
      %add3A_135 = arith.constant 16 : i32
      %add3A_136 = vector.broadcast %add3A_135 : i32 to vector<16xi32>
      %add3A_137 = arith.addi %xor3A_131, %add3A_136 : vector<16xi32>
      %select_n3A_138 = arith.select %lt3A_134, %add3A_137, %xor3A_131 : vector<16xi1>, vector<16xi32>
      %broadcast_in_dim3A_139 = vector.shape_cast %select_n3A_138 : vector<16xi32> to vector<16x1xi32>
      %gather3A_140 = vector.shape_cast %broadcast_in_dim3A_139 : vector<16x1xi32> to vector<16xi32>
      %gather3A_141 = tpu.dynamic_gather %min3A[%gather3A_140] in [0] : vector<16xi32>, vector<16xi32> -> vector<16xi32>
      %min3A_142 = arith.minsi %min3A, %gather3A_141 : vector<16xi32>
      %xor3A_143 = arith.constant 4 : i32
      %xor3A_144 = vector.broadcast %xor3A_143 : i32 to vector<16xi32>
      %xor3A_145 = arith.xori %iota3A, %xor3A_144 : vector<16xi32>
      %lt3A_146 = arith.constant 0 : i32
      %lt3A_147 = vector.broadcast %lt3A_146 : i32 to vector<16xi32>
      %lt3A_148 = arith.cmpi slt, %xor3A_145, %lt3A_147 : vector<16xi32>
      %add3A_149 = arith.constant 16 : i32
      %add3A_150 = vector.broadcast %add3A_149 : i32 to vector<16xi32>
      %add3A_151 = arith.addi %xor3A_145, %add3A_150 : vector<16xi32>
      %select_n3A_152 = arith.select %lt3A_148, %add3A_151, %xor3A_145 : vector<16xi1>, vector<16xi32>
      %broadcast_in_dim3A_153 = vector.shape_cast %select_n3A_152 : vector<16xi32> to vector<16x1xi32>
      %gather3A_154 = vector.shape_cast %broadcast_in_dim3A_153 : vector<16x1xi32> to vector<16xi32>
      %gather3A_155 = tpu.dynamic_gather %min3A_142[%gather3A_154] in [0] : vector<16xi32>, vector<16xi32> -> vector<16xi32>
      %min3A_156 = arith.minsi %min3A_142, %gather3A_155 : vector<16xi32>
      %xor3A_157 = arith.constant 8 : i32
      %xor3A_158 = vector.broadcast %xor3A_157 : i32 to vector<16xi32>
      %xor3A_159 = arith.xori %iota3A, %xor3A_158 : vector<16xi32>
      %lt3A_160 = arith.constant 0 : i32
      %lt3A_161 = vector.broadcast %lt3A_160 : i32 to vector<16xi32>
      %lt3A_162 = arith.cmpi slt, %xor3A_159, %lt3A_161 : vector<16xi32>
      %add3A_163 = arith.constant 16 : i32
      %add3A_164 = vector.broadcast %add3A_163 : i32 to vector<16xi32>
      %add3A_165 = arith.addi %xor3A_159, %add3A_164 : vector<16xi32>
      %select_n3A_166 = arith.select %lt3A_162, %add3A_165, %xor3A_159 : vector<16xi1>, vector<16xi32>
      %broadcast_in_dim3A_167 = vector.shape_cast %select_n3A_166 : vector<16xi32> to vector<16x1xi32>
      %gather3A_168 = vector.shape_cast %broadcast_in_dim3A_167 : vector<16x1xi32> to vector<16xi32>
      %gather3A_169 = tpu.dynamic_gather %min3A_156[%gather3A_168] in [0] : vector<16xi32>, vector<16xi32> -> vector<16xi32>
      %min3A_170 = arith.minsi %min3A_156, %gather3A_169 : vector<16xi32>
      %eq3A_171 = arith.cmpi eq, %iota3A, %min3A_170 : vector<16xi32>
      %jit3A_172 = arith.constant 0.000000e+00 : f32
      %broadcast_in_dim3A_173 = vector.broadcast %jit3A_172 : f32 to vector<16xf32>
      %select_n3A_174 = arith.select %eq3A_171, %div3A_113, %broadcast_in_dim3A_173 : vector<16xi1>, vector<16xf32>
      %swap3A = arith.constant 0 : index
      %swap3A_175 = tpu.vector_load %arg5[%swap3A] {strides = array<i32>} : memref<16xf32, #tpu.memory_space<vmem>>, vector<16xf32>,
      %swap3A_176 = vector.shape_cast %swap3A_175 : vector<16xf32> to vector<16xf32>
      %swap3A_177 = vector.shape_cast %select_n3A_174 : vector<16xf32> to vector<16xf32>
      tpu.vector_store %arg5[%swap3A], %swap3A_177 {strides = array<i32>} : memref<16xf32, #tpu.memory_space<vmem>>, vector<16xf32>,
      "tpu.region"() ({
        %run_scoped3A = tpu.sem_alloc : memref<!tpu.dma_semaphore, #tpu.memory_space<semaphore_mem>>
        %dma_start3A = arith.constant 0 : i32
        %dma_start3A_178 = tpu.memref_slice %arg3[%add3A, %dma_start3A] : memref<8x16xf32, #tpu.memory_space<hbm>> -> memref<1x16xf32, #tpu.memory_space<hbm>>
        %dma_start3A_179 = tpu.memref_squeeze %dma_start3A_178 : memref<1x16xf32, #tpu.memory_space<hbm>> -> memref<16xf32, #tpu.memory_space<hbm>>
        %dma_start3A_180 = arith.constant 0 : i32
        %dma_start3A_181 = tpu.memref_slice %arg3[%add3A, %dma_start3A_180] : memref<8x16xf32, #tpu.memory_space<hbm>> -> memref<1x16xf32, #tpu.memory_space<hbm>>
        %dma_start3A_182 = tpu.memref_squeeze %dma_start3A_181 : memref<1x16xf32, #tpu.memory_space<hbm>> -> memref<16xf32, #tpu.memory_space<hbm>>
        tpu.enqueue_dma source(%arg5 : memref<16xf32, #tpu.memory_space<vmem>>) target(%dma_start3A_182 : memref<16xf32, #tpu.memory_space<hbm>>) target_semaphore(%run_scoped3A : memref<!tpu.dma_semaphore, #tpu.memory_space<semaphore_mem>>)
        %dma_wait3A = arith.constant 0 : i32
        %dma_wait3A_183 = tpu.memref_slice %arg3[%add3A, %dma_wait3A] : memref<8x16xf32, #tpu.memory_space<hbm>> -> memref<1x16xf32, #tpu.memory_space<hbm>>
        %dma_wait3A_184 = tpu.memref_squeeze %dma_wait3A_183 : memref<1x16xf32, #tpu.memory_space<hbm>> -> memref<16xf32, #tpu.memory_space<hbm>>
        %dma_wait3A_185 = arith.constant 0 : i32
        %dma_wait3A_186 = tpu.memref_slice %arg3[%add3A, %dma_wait3A_185] : memref<8x16xf32, #tpu.memory_space<hbm>> -> memref<1x16xf32, #tpu.memory_space<hbm>>
        %dma_wait3A_187 = tpu.memref_squeeze %dma_wait3A_186 : memref<1x16xf32, #tpu.memory_space<hbm>> -> memref<16xf32, #tpu.memory_space<hbm>>
        tpu.wait_dma2 semaphore(%run_scoped3A : memref<!tpu.dma_semaphore, #tpu.memory_space<semaphore_mem>>) src(%arg5 : memref<16xf32, #tpu.memory_space<vmem>>) dst(%dma_wait3A_187 : memref<16xf32, #tpu.memory_space<hbm>>)
        tpu.yield
      }) : () -> ()
    } else {
    }
    return
  }
}

module attributes {stable_mosaic.version = 14 : i64} {
  func.func @_gating_body(%arg0: i32, %arg1: memref<1x4096x128xf32, #tpu.memory_space<vmem>>, %arg2: memref<256x4096xbf16, #tpu.memory_space<vmem>>, %arg3: memref<9x128x128xf32, #tpu.memory_space<vmem>>, %arg4: memref<1x128xf32, #tpu.memory_space<vmem>>, %arg5: memref<8x128xf32, #tpu.memory_space<vmem>>, %arg6: memref<8x128xf32, #tpu.memory_space<vmem>>, %arg7: memref<8x128xi32, #tpu.memory_space<vmem>>) attributes {dimension_semantics = [#tpu.dimension_semantics<arbitrary>], iteration_bounds = array<i64: 8>, scalar_prefetch = 0 : i64, scratch_operands = 0 : i64, tpu.core_type = #tpu.core_type<tc>, window_params = [{transform_indices = @transform_0, window_bounds = array<i64: 1, 4096, 128>}, {pipeline_mode = #tpu.pipeline_mode<synchronous>, transform_indices = @transform_1, window_bounds = array<i64: 256, 4096>}, {pipeline_mode = #tpu.pipeline_mode<synchronous>, transform_indices = @transform_2, window_bounds = array<i64: 9, 128, 128>}, {pipeline_mode = #tpu.pipeline_mode<synchronous>, transform_indices = @transform_3, window_bounds = array<i64: 1, 128>}, {pipeline_mode = #tpu.pipeline_mode<synchronous>, transform_indices = @transform_4, window_bounds = array<i64: 8, 128>}, {pipeline_mode = #tpu.pipeline_mode<synchronous>, transform_indices = @transform_5, window_bounds = array<i64: 8, 128>}, {pipeline_mode = #tpu.pipeline_mode<synchronous>, transform_indices = @transform_6, window_bounds = array<i64: 8, 128>}]} {
    %get3A = arith.constant 0 : index
    %get3A_0 = arith.constant 0 : index
    %get3A_1 = arith.constant 0 : index
    %get3A_2 = vector.load %arg1[%get3A, %get3A_0, %get3A_1] : memref<1x4096x128xf32, #tpu.memory_space<vmem>>, vector<1x4096x128xf32>
    %get3A_3 = vector.shape_cast %get3A_2 : vector<1x4096x128xf32> to vector<4096x128xf32>
    %convert_element_type3A = arith.truncf %get3A_3 : vector<4096x128xf32> to vector<4096x128xbf16>
    %get3A_4 = arith.constant 0 : index
    %get3A_5 = arith.constant 0 : index
    %get3A_6 = vector.load %arg2[%get3A_4, %get3A_5] : memref<256x4096xbf16, #tpu.memory_space<vmem>>, vector<256x4096xbf16>
    %dot_general3A = arith.constant dense<0.000000e+00> : vector<256x128xf32>
    %dot_general3A_7 = tpu.matmul %get3A_6, %convert_element_type3A, %dot_general3A {dimension_numbers = #tpu.dot_dimension_numbers<[1], [0], [0], [1], [0, 0, 1, 1], [], []>, transpose_lhs_hint = false} : vector<256x4096xbf16>, vector<4096x128xbf16>, vector<256x128xf32> -> vector<256x128xf32>
    %slice3A = vector.extract_strided_slice %dot_general3A_7 {offsets = [0, 0], sizes = [64, 128], strides = [1, 1]} : vector<256x128xf32> to vector<64x128xf32>
    %reduce_sum3A = arith.constant dense<0.000000e+00> : vector<128xf32>
    %reduce_sum3A_8 = vector.multi_reduction <add>, %slice3A, %reduce_sum3A [0] : vector<64x128xf32> to vector<128xf32>
    %broadcast_in_dim3A = vector.shape_cast %reduce_sum3A_8 : vector<128xf32> to vector<1x128xf32>
    %broadcast_in_dim3A_9 = arith.constant 0.000000e+00 : f32
    %broadcast_in_dim3A_10 = vector.broadcast %broadcast_in_dim3A_9 : f32 to vector<1x128xf32>
    %slice3A_11 = vector.extract_strided_slice %dot_general3A_7 {offsets = [62, 0], sizes = [1, 128], strides = [1, 1]} : vector<256x128xf32> to vector<1x128xf32>
    %slice3A_12 = vector.extract_strided_slice %dot_general3A_7 {offsets = [63, 0], sizes = [1, 128], strides = [1, 1]} : vector<256x128xf32> to vector<1x128xf32>
    %add3A = arith.addf %slice3A_11, %slice3A_12 : vector<1x128xf32>
    %slice3A_13 = vector.extract_strided_slice %dot_general3A_7 {offsets = [126, 0], sizes = [1, 128], strides = [1, 1]} : vector<256x128xf32> to vector<1x128xf32>
    %slice3A_14 = vector.extract_strided_slice %dot_general3A_7 {offsets = [127, 0], sizes = [1, 128], strides = [1, 1]} : vector<256x128xf32> to vector<1x128xf32>
    %add3A_15 = arith.addf %slice3A_13, %slice3A_14 : vector<1x128xf32>
    %slice3A_16 = vector.extract_strided_slice %dot_general3A_7 {offsets = [138, 0], sizes = [1, 128], strides = [1, 1]} : vector<256x128xf32> to vector<1x128xf32>
    %slice3A_17 = vector.extract_strided_slice %dot_general3A_7 {offsets = [139, 0], sizes = [1, 128], strides = [1, 1]} : vector<256x128xf32> to vector<1x128xf32>
    %add3A_18 = arith.addf %slice3A_16, %slice3A_17 : vector<1x128xf32>
    %slice3A_19 = vector.extract_strided_slice %dot_general3A_7 {offsets = [142, 0], sizes = [1, 128], strides = [1, 1]} : vector<256x128xf32> to vector<1x128xf32>
    %add3A_20 = arith.addf %add3A_18, %slice3A_19 : vector<1x128xf32>
    %slice3A_21 = vector.extract_strided_slice %dot_general3A_7 {offsets = [143, 0], sizes = [1, 128], strides = [1, 1]} : vector<256x128xf32> to vector<1x128xf32>
    %add3A_22 = arith.addf %add3A_20, %slice3A_21 : vector<1x128xf32>
    %sub3A = arith.subf %broadcast_in_dim3A, %add3A : vector<1x128xf32>
    %sub3A_23 = arith.subf %sub3A, %add3A_15 : vector<1x128xf32>
    %add3A_24 = arith.addf %sub3A_23, %add3A_22 : vector<1x128xf32>
    %get3A_25 = arith.constant 0 : index
    %get3A_26 = arith.constant 0 : index
    %get3A_27 = arith.constant 0 : index
    %get3A_28 = vector.load %arg3[%get3A_25, %get3A_26, %get3A_27] : memref<9x128x128xf32, #tpu.memory_space<vmem>>, vector<1x128x128xf32>
    %get3A_29 = vector.shape_cast %get3A_28 : vector<1x128x128xf32> to vector<128x128xf32>
    %dot_general3A_30 = arith.constant dense<0.000000e+00> : vector<1x128xf32>
    %dot_general3A_31 = tpu.matmul %add3A_24, %get3A_29, %dot_general3A_30 {dimension_numbers = #tpu.dot_dimension_numbers<[1], [0], [0], [1], [0, 0, 1, 1], [], []>, precision = #tpu.contract_precision<fp32>, transpose_lhs_hint = false} : vector<1x128xf32>, vector<128x128xf32>, vector<1x128xf32> -> vector<1x128xf32>
    %add3A_32 = arith.addf %broadcast_in_dim3A_10, %dot_general3A_31 : vector<1x128xf32>
    %slice3A_33 = vector.extract_strided_slice %dot_general3A_7 {offsets = [64, 0], sizes = [1, 128], strides = [1, 1]} : vector<256x128xf32> to vector<1x128xf32>
    %slice3A_34 = vector.extract_strided_slice %dot_general3A_7 {offsets = [127, 0], sizes = [1, 128], strides = [1, 1]} : vector<256x128xf32> to vector<1x128xf32>
    %add3A_35 = arith.addf %slice3A_33, %slice3A_34 : vector<1x128xf32>
    %slice3A_36 = vector.extract_strided_slice %dot_general3A_7 {offsets = [136, 0], sizes = [1, 128], strides = [1, 1]} : vector<256x128xf32> to vector<1x128xf32>
    %slice3A_37 = vector.extract_strided_slice %dot_general3A_7 {offsets = [139, 0], sizes = [1, 128], strides = [1, 1]} : vector<256x128xf32> to vector<1x128xf32>
    %add3A_38 = arith.addf %slice3A_36, %slice3A_37 : vector<1x128xf32>
    %slice3A_39 = vector.extract_strided_slice %dot_general3A_7 {offsets = [140, 0], sizes = [1, 128], strides = [1, 1]} : vector<256x128xf32> to vector<1x128xf32>
    %add3A_40 = arith.addf %add3A_38, %slice3A_39 : vector<1x128xf32>
    %slice3A_41 = vector.extract_strided_slice %dot_general3A_7 {offsets = [143, 0], sizes = [1, 128], strides = [1, 1]} : vector<256x128xf32> to vector<1x128xf32>
    %add3A_42 = arith.addf %add3A_40, %slice3A_41 : vector<1x128xf32>
    %sub3A_43 = arith.subf %broadcast_in_dim3A, %add3A : vector<1x128xf32>
    %sub3A_44 = arith.subf %sub3A_43, %add3A_35 : vector<1x128xf32>
    %add3A_45 = arith.addf %sub3A_44, %add3A_42 : vector<1x128xf32>
    %get3A_46 = arith.constant 1 : index
    %get3A_47 = arith.constant 0 : index
    %get3A_48 = arith.constant 0 : index
    %get3A_49 = vector.load %arg3[%get3A_46, %get3A_47, %get3A_48] : memref<9x128x128xf32, #tpu.memory_space<vmem>>, vector<1x128x128xf32>
    %get3A_50 = vector.shape_cast %get3A_49 : vector<1x128x128xf32> to vector<128x128xf32>
    %dot_general3A_51 = arith.constant dense<0.000000e+00> : vector<1x128xf32>
    %dot_general3A_52 = tpu.matmul %add3A_45, %get3A_50, %dot_general3A_51 {dimension_numbers = #tpu.dot_dimension_numbers<[1], [0], [0], [1], [0, 0, 1, 1], [], []>, precision = #tpu.contract_precision<fp32>, transpose_lhs_hint = false} : vector<1x128xf32>, vector<128x128xf32>, vector<1x128xf32> -> vector<1x128xf32>
    %add3A_53 = arith.addf %add3A_32, %dot_general3A_52 : vector<1x128xf32>
    %slice3A_54 = vector.extract_strided_slice %dot_general3A_7 {offsets = [64, 0], sizes = [1, 128], strides = [1, 1]} : vector<256x128xf32> to vector<1x128xf32>
    %slice3A_55 = vector.extract_strided_slice %dot_general3A_7 {offsets = [65, 0], sizes = [1, 128], strides = [1, 1]} : vector<256x128xf32> to vector<1x128xf32>
    %add3A_56 = arith.addf %slice3A_54, %slice3A_55 : vector<1x128xf32>
    %slice3A_57 = vector.extract_strided_slice %dot_general3A_7 {offsets = [136, 0], sizes = [1, 128], strides = [1, 1]} : vector<256x128xf32> to vector<1x128xf32>
    %slice3A_58 = vector.extract_strided_slice %dot_general3A_7 {offsets = [137, 0], sizes = [1, 128], strides = [1, 1]} : vector<256x128xf32> to vector<1x128xf32>
    %add3A_59 = arith.addf %slice3A_57, %slice3A_58 : vector<1x128xf32>
    %slice3A_60 = vector.extract_strided_slice %dot_general3A_7 {offsets = [140, 0], sizes = [1, 128], strides = [1, 1]} : vector<256x128xf32> to vector<1x128xf32>
    %add3A_61 = arith.addf %add3A_59, %slice3A_60 : vector<1x128xf32>
    %slice3A_62 = vector.extract_strided_slice %dot_general3A_7 {offsets = [141, 0], sizes = [1, 128], strides = [1, 1]} : vector<256x128xf32> to vector<1x128xf32>
    %add3A_63 = arith.addf %add3A_61, %slice3A_62 : vector<1x128xf32>
    %sub3A_64 = arith.subf %broadcast_in_dim3A, %add3A : vector<1x128xf32>
    %sub3A_65 = arith.subf %sub3A_64, %add3A_56 : vector<1x128xf32>
    %add3A_66 = arith.addf %sub3A_65, %add3A_63 : vector<1x128xf32>
    %get3A_67 = arith.constant 2 : index
    %get3A_68 = arith.constant 0 : index
    %get3A_69 = arith.constant 0 : index
    %get3A_70 = vector.load %arg3[%get3A_67, %get3A_68, %get3A_69] : memref<9x128x128xf32, #tpu.memory_space<vmem>>, vector<1x128x128xf32>
    %get3A_71 = vector.shape_cast %get3A_70 : vector<1x128x128xf32> to vector<128x128xf32>
    %dot_general3A_72 = arith.constant dense<0.000000e+00> : vector<1x128xf32>
    %dot_general3A_73 = tpu.matmul %add3A_66, %get3A_71, %dot_general3A_72 {dimension_numbers = #tpu.dot_dimension_numbers<[1], [0], [0], [1], [0, 0, 1, 1], [], []>, precision = #tpu.contract_precision<fp32>, transpose_lhs_hint = false} : vector<1x128xf32>, vector<128x128xf32>, vector<1x128xf32> -> vector<1x128xf32>
    %add3A_74 = arith.addf %add3A_53, %dot_general3A_73 : vector<1x128xf32>
    %slice3A_75 = vector.extract_strided_slice %dot_general3A_7 {offsets = [0, 0], sizes = [1, 128], strides = [1, 1]} : vector<256x128xf32> to vector<1x128xf32>
    %slice3A_76 = vector.extract_strided_slice %dot_general3A_7 {offsets = [63, 0], sizes = [1, 128], strides = [1, 1]} : vector<256x128xf32> to vector<1x128xf32>
    %add3A_77 = arith.addf %slice3A_75, %slice3A_76 : vector<1x128xf32>
    %slice3A_78 = vector.extract_strided_slice %dot_general3A_7 {offsets = [126, 0], sizes = [1, 128], strides = [1, 1]} : vector<256x128xf32> to vector<1x128xf32>
    %slice3A_79 = vector.extract_strided_slice %dot_general3A_7 {offsets = [127, 0], sizes = [1, 128], strides = [1, 1]} : vector<256x128xf32> to vector<1x128xf32>
    %add3A_80 = arith.addf %slice3A_78, %slice3A_79 : vector<1x128xf32>
    %slice3A_81 = vector.extract_strided_slice %dot_general3A_7 {offsets = [130, 0], sizes = [1, 128], strides = [1, 1]} : vector<256x128xf32> to vector<1x128xf32>
    %slice3A_82 = vector.extract_strided_slice %dot_general3A_7 {offsets = [131, 0], sizes = [1, 128], strides = [1, 1]} : vector<256x128xf32> to vector<1x128xf32>
    %add3A_83 = arith.addf %slice3A_81, %slice3A_82 : vector<1x128xf32>
    %slice3A_84 = vector.extract_strided_slice %dot_general3A_7 {offsets = [142, 0], sizes = [1, 128], strides = [1, 1]} : vector<256x128xf32> to vector<1x128xf32>
    %add3A_85 = arith.addf %add3A_83, %slice3A_84 : vector<1x128xf32>
    %slice3A_86 = vector.extract_strided_slice %dot_general3A_7 {offsets = [143, 0], sizes = [1, 128], strides = [1, 1]} : vector<256x128xf32> to vector<1x128xf32>
    %add3A_87 = arith.addf %add3A_85, %slice3A_86 : vector<1x128xf32>
    %sub3A_88 = arith.subf %broadcast_in_dim3A, %add3A_77 : vector<1x128xf32>
    %sub3A_89 = arith.subf %sub3A_88, %add3A_80 : vector<1x128xf32>
    %add3A_90 = arith.addf %sub3A_89, %add3A_87 : vector<1x128xf32>
    %get3A_91 = arith.constant 3 : index
    %get3A_92 = arith.constant 0 : index
    %get3A_93 = arith.constant 0 : index
    %get3A_94 = vector.load %arg3[%get3A_91, %get3A_92, %get3A_93] : memref<9x128x128xf32, #tpu.memory_space<vmem>>, vector<1x128x128xf32>
    %get3A_95 = vector.shape_cast %get3A_94 : vector<1x128x128xf32> to vector<128x128xf32>
    %dot_general3A_96 = arith.constant dense<0.000000e+00> : vector<1x128xf32>
    %dot_general3A_97 = tpu.matmul %add3A_90, %get3A_95, %dot_general3A_96 {dimension_numbers = #tpu.dot_dimension_numbers<[1], [0], [0], [1], [0, 0, 1, 1], [], []>, precision = #tpu.contract_precision<fp32>, transpose_lhs_hint = false} : vector<1x128xf32>, vector<128x128xf32>, vector<1x128xf32> -> vector<1x128xf32>
    %add3A_98 = arith.addf %add3A_74, %dot_general3A_97 : vector<1x128xf32>
    %slice3A_99 = vector.extract_strided_slice %dot_general3A_7 {offsets = [64, 0], sizes = [1, 128], strides = [1, 1]} : vector<256x128xf32> to vector<1x128xf32>
    %slice3A_100 = vector.extract_strided_slice %dot_general3A_7 {offsets = [127, 0], sizes = [1, 128], strides = [1, 1]} : vector<256x128xf32> to vector<1x128xf32>
    %add3A_101 = arith.addf %slice3A_99, %slice3A_100 : vector<1x128xf32>
    %slice3A_102 = vector.extract_strided_slice %dot_general3A_7 {offsets = [128, 0], sizes = [1, 128], strides = [1, 1]} : vector<256x128xf32> to vector<1x128xf32>
    %slice3A_103 = vector.extract_strided_slice %dot_general3A_7 {offsets = [131, 0], sizes = [1, 128], strides = [1, 1]} : vector<256x128xf32> to vector<1x128xf32>
    %add3A_104 = arith.addf %slice3A_102, %slice3A_103 : vector<1x128xf32>
    %slice3A_105 = vector.extract_strided_slice %dot_general3A_7 {offsets = [140, 0], sizes = [1, 128], strides = [1, 1]} : vector<256x128xf32> to vector<1x128xf32>
    %add3A_106 = arith.addf %add3A_104, %slice3A_105 : vector<1x128xf32>
    %slice3A_107 = vector.extract_strided_slice %dot_general3A_7 {offsets = [143, 0], sizes = [1, 128], strides = [1, 1]} : vector<256x128xf32> to vector<1x128xf32>
    %add3A_108 = arith.addf %add3A_106, %slice3A_107 : vector<1x128xf32>
    %sub3A_109 = arith.subf %broadcast_in_dim3A, %add3A_77 : vector<1x128xf32>
    %sub3A_110 = arith.subf %sub3A_109, %add3A_101 : vector<1x128xf32>
    %add3A_111 = arith.addf %sub3A_110, %add3A_108 : vector<1x128xf32>
    %get3A_112 = arith.constant 4 : index
    %get3A_113 = arith.constant 0 : index
    %get3A_114 = arith.constant 0 : index
    %get3A_115 = vector.load %arg3[%get3A_112, %get3A_113, %get3A_114] : memref<9x128x128xf32, #tpu.memory_space<vmem>>, vector<1x128x128xf32>
    %get3A_116 = vector.shape_cast %get3A_115 : vector<1x128x128xf32> to vector<128x128xf32>
    %dot_general3A_117 = arith.constant dense<0.000000e+00> : vector<1x128xf32>
    %dot_general3A_118 = tpu.matmul %add3A_111, %get3A_116, %dot_general3A_117 {dimension_numbers = #tpu.dot_dimension_numbers<[1], [0], [0], [1], [0, 0, 1, 1], [], []>, precision = #tpu.contract_precision<fp32>, transpose_lhs_hint = false} : vector<1x128xf32>, vector<128x128xf32>, vector<1x128xf32> -> vector<1x128xf32>
    %add3A_119 = arith.addf %add3A_98, %dot_general3A_118 : vector<1x128xf32>
    %slice3A_120 = vector.extract_strided_slice %dot_general3A_7 {offsets = [64, 0], sizes = [1, 128], strides = [1, 1]} : vector<256x128xf32> to vector<1x128xf32>
    %slice3A_121 = vector.extract_strided_slice %dot_general3A_7 {offsets = [65, 0], sizes = [1, 128], strides = [1, 1]} : vector<256x128xf32> to vector<1x128xf32>
    %add3A_122 = arith.addf %slice3A_120, %slice3A_121 : vector<1x128xf32>
    %slice3A_123 = vector.extract_strided_slice %dot_general3A_7 {offsets = [128, 0], sizes = [1, 128], strides = [1, 1]} : vector<256x128xf32> to vector<1x128xf32>
    %slice3A_124 = vector.extract_strided_slice %dot_general3A_7 {offsets = [129, 0], sizes = [1, 128], strides = [1, 1]} : vector<256x128xf32> to vector<1x128xf32>
    %add3A_125 = arith.addf %slice3A_123, %slice3A_124 : vector<1x128xf32>
    %slice3A_126 = vector.extract_strided_slice %dot_general3A_7 {offsets = [140, 0], sizes = [1, 128], strides = [1, 1]} : vector<256x128xf32> to vector<1x128xf32>
    %add3A_127 = arith.addf %add3A_125, %slice3A_126 : vector<1x128xf32>
    %slice3A_128 = vector.extract_strided_slice %dot_general3A_7 {offsets = [141, 0], sizes = [1, 128], strides = [1, 1]} : vector<256x128xf32> to vector<1x128xf32>
    %add3A_129 = arith.addf %add3A_127, %slice3A_128 : vector<1x128xf32>
    %sub3A_130 = arith.subf %broadcast_in_dim3A, %add3A_77 : vector<1x128xf32>
    %sub3A_131 = arith.subf %sub3A_130, %add3A_122 : vector<1x128xf32>
    %add3A_132 = arith.addf %sub3A_131, %add3A_129 : vector<1x128xf32>
    %get3A_133 = arith.constant 5 : index
    %get3A_134 = arith.constant 0 : index
    %get3A_135 = arith.constant 0 : index
    %get3A_136 = vector.load %arg3[%get3A_133, %get3A_134, %get3A_135] : memref<9x128x128xf32, #tpu.memory_space<vmem>>, vector<1x128x128xf32>
    %get3A_137 = vector.shape_cast %get3A_136 : vector<1x128x128xf32> to vector<128x128xf32>
    %dot_general3A_138 = arith.constant dense<0.000000e+00> : vector<1x128xf32>
    %dot_general3A_139 = tpu.matmul %add3A_132, %get3A_137, %dot_general3A_138 {dimension_numbers = #tpu.dot_dimension_numbers<[1], [0], [0], [1], [0, 0, 1, 1], [], []>, precision = #tpu.contract_precision<fp32>, transpose_lhs_hint = false} : vector<1x128xf32>, vector<128x128xf32>, vector<1x128xf32> -> vector<1x128xf32>
    %add3A_140 = arith.addf %add3A_119, %dot_general3A_139 : vector<1x128xf32>
    %slice3A_141 = vector.extract_strided_slice %dot_general3A_7 {offsets = [0, 0], sizes = [1, 128], strides = [1, 1]} : vector<256x128xf32> to vector<1x128xf32>
    %slice3A_142 = vector.extract_strided_slice %dot_general3A_7 {offsets = [1, 0], sizes = [1, 128], strides = [1, 1]} : vector<256x128xf32> to vector<1x128xf32>
    %add3A_143 = arith.addf %slice3A_141, %slice3A_142 : vector<1x128xf32>
    %slice3A_144 = vector.extract_strided_slice %dot_general3A_7 {offsets = [126, 0], sizes = [1, 128], strides = [1, 1]} : vector<256x128xf32> to vector<1x128xf32>
    %slice3A_145 = vector.extract_strided_slice %dot_general3A_7 {offsets = [127, 0], sizes = [1, 128], strides = [1, 1]} : vector<256x128xf32> to vector<1x128xf32>
    %add3A_146 = arith.addf %slice3A_144, %slice3A_145 : vector<1x128xf32>
    %slice3A_147 = vector.extract_strided_slice %dot_general3A_7 {offsets = [130, 0], sizes = [1, 128], strides = [1, 1]} : vector<256x128xf32> to vector<1x128xf32>
    %slice3A_148 = vector.extract_strided_slice %dot_general3A_7 {offsets = [131, 0], sizes = [1, 128], strides = [1, 1]} : vector<256x128xf32> to vector<1x128xf32>
    %add3A_149 = arith.addf %slice3A_147, %slice3A_148 : vector<1x128xf32>
    %slice3A_150 = vector.extract_strided_slice %dot_general3A_7 {offsets = [134, 0], sizes = [1, 128], strides = [1, 1]} : vector<256x128xf32> to vector<1x128xf32>
    %add3A_151 = arith.addf %add3A_149, %slice3A_150 : vector<1x128xf32>
    %slice3A_152 = vector.extract_strided_slice %dot_general3A_7 {offsets = [135, 0], sizes = [1, 128], strides = [1, 1]} : vector<256x128xf32> to vector<1x128xf32>
    %add3A_153 = arith.addf %add3A_151, %slice3A_152 : vector<1x128xf32>
    %sub3A_154 = arith.subf %broadcast_in_dim3A, %add3A_143 : vector<1x128xf32>
    %sub3A_155 = arith.subf %sub3A_154, %add3A_146 : vector<1x128xf32>
    %add3A_156 = arith.addf %sub3A_155, %add3A_153 : vector<1x128xf32>
    %get3A_157 = arith.constant 6 : index
    %get3A_158 = arith.constant 0 : index
    %get3A_159 = arith.constant 0 : index
    %get3A_160 = vector.load %arg3[%get3A_157, %get3A_158, %get3A_159] : memref<9x128x128xf32, #tpu.memory_space<vmem>>, vector<1x128x128xf32>
    %get3A_161 = vector.shape_cast %get3A_160 : vector<1x128x128xf32> to vector<128x128xf32>
    %dot_general3A_162 = arith.constant dense<0.000000e+00> : vector<1x128xf32>
    %dot_general3A_163 = tpu.matmul %add3A_156, %get3A_161, %dot_general3A_162 {dimension_numbers = #tpu.dot_dimension_numbers<[1], [0], [0], [1], [0, 0, 1, 1], [], []>, precision = #tpu.contract_precision<fp32>, transpose_lhs_hint = false} : vector<1x128xf32>, vector<128x128xf32>, vector<1x128xf32> -> vector<1x128xf32>
    %add3A_164 = arith.addf %add3A_140, %dot_general3A_163 : vector<1x128xf32>
    %slice3A_165 = vector.extract_strided_slice %dot_general3A_7 {offsets = [64, 0], sizes = [1, 128], strides = [1, 1]} : vector<256x128xf32> to vector<1x128xf32>
    %slice3A_166 = vector.extract_strided_slice %dot_general3A_7 {offsets = [127, 0], sizes = [1, 128], strides = [1, 1]} : vector<256x128xf32> to vector<1x128xf32>
    %add3A_167 = arith.addf %slice3A_165, %slice3A_166 : vector<1x128xf32>
    %slice3A_168 = vector.extract_strided_slice %dot_general3A_7 {offsets = [128, 0], sizes = [1, 128], strides = [1, 1]} : vector<256x128xf32> to vector<1x128xf32>
    %slice3A_169 = vector.extract_strided_slice %dot_general3A_7 {offsets = [131, 0], sizes = [1, 128], strides = [1, 1]} : vector<256x128xf32> to vector<1x128xf32>
    %add3A_170 = arith.addf %slice3A_168, %slice3A_169 : vector<1x128xf32>
    %slice3A_171 = vector.extract_strided_slice %dot_general3A_7 {offsets = [132, 0], sizes = [1, 128], strides = [1, 1]} : vector<256x128xf32> to vector<1x128xf32>
    %add3A_172 = arith.addf %add3A_170, %slice3A_171 : vector<1x128xf32>
    %slice3A_173 = vector.extract_strided_slice %dot_general3A_7 {offsets = [135, 0], sizes = [1, 128], strides = [1, 1]} : vector<256x128xf32> to vector<1x128xf32>
    %add3A_174 = arith.addf %add3A_172, %slice3A_173 : vector<1x128xf32>
    %sub3A_175 = arith.subf %broadcast_in_dim3A, %add3A_143 : vector<1x128xf32>
    %sub3A_176 = arith.subf %sub3A_175, %add3A_167 : vector<1x128xf32>
    %add3A_177 = arith.addf %sub3A_176, %add3A_174 : vector<1x128xf32>
    %get3A_178 = arith.constant 7 : index
    %get3A_179 = arith.constant 0 : index
    %get3A_180 = arith.constant 0 : index
    %get3A_181 = vector.load %arg3[%get3A_178, %get3A_179, %get3A_180] : memref<9x128x128xf32, #tpu.memory_space<vmem>>, vector<1x128x128xf32>
    %get3A_182 = vector.shape_cast %get3A_181 : vector<1x128x128xf32> to vector<128x128xf32>
    %dot_general3A_183 = arith.constant dense<0.000000e+00> : vector<1x128xf32>
    %dot_general3A_184 = tpu.matmul %add3A_177, %get3A_182, %dot_general3A_183 {dimension_numbers = #tpu.dot_dimension_numbers<[1], [0], [0], [1], [0, 0, 1, 1], [], []>, precision = #tpu.contract_precision<fp32>, transpose_lhs_hint = false} : vector<1x128xf32>, vector<128x128xf32>, vector<1x128xf32> -> vector<1x128xf32>
    %add3A_185 = arith.addf %add3A_164, %dot_general3A_184 : vector<1x128xf32>
    %slice3A_186 = vector.extract_strided_slice %dot_general3A_7 {offsets = [64, 0], sizes = [1, 128], strides = [1, 1]} : vector<256x128xf32> to vector<1x128xf32>
    %slice3A_187 = vector.extract_strided_slice %dot_general3A_7 {offsets = [65, 0], sizes = [1, 128], strides = [1, 1]} : vector<256x128xf32> to vector<1x128xf32>
    %add3A_188 = arith.addf %slice3A_186, %slice3A_187 : vector<1x128xf32>
    %slice3A_189 = vector.extract_strided_slice %dot_general3A_7 {offsets = [128, 0], sizes = [1, 128], strides = [1, 1]} : vector<256x128xf32> to vector<1x128xf32>
    %slice3A_190 = vector.extract_strided_slice %dot_general3A_7 {offsets = [129, 0], sizes = [1, 128], strides = [1, 1]} : vector<256x128xf32> to vector<1x128xf32>
    %add3A_191 = arith.addf %slice3A_189, %slice3A_190 : vector<1x128xf32>
    %slice3A_192 = vector.extract_strided_slice %dot_general3A_7 {offsets = [132, 0], sizes = [1, 128], strides = [1, 1]} : vector<256x128xf32> to vector<1x128xf32>
    %add3A_193 = arith.addf %add3A_191, %slice3A_192 : vector<1x128xf32>
    %slice3A_194 = vector.extract_strided_slice %dot_general3A_7 {offsets = [133, 0], sizes = [1, 128], strides = [1, 1]} : vector<256x128xf32> to vector<1x128xf32>
    %add3A_195 = arith.addf %add3A_193, %slice3A_194 : vector<1x128xf32>
    %sub3A_196 = arith.subf %broadcast_in_dim3A, %add3A_143 : vector<1x128xf32>
    %sub3A_197 = arith.subf %sub3A_196, %add3A_188 : vector<1x128xf32>
    %add3A_198 = arith.addf %sub3A_197, %add3A_195 : vector<1x128xf32>
    %get3A_199 = arith.constant 8 : index
    %get3A_200 = arith.constant 0 : index
    %get3A_201 = arith.constant 0 : index
    %get3A_202 = vector.load %arg3[%get3A_199, %get3A_200, %get3A_201] : memref<9x128x128xf32, #tpu.memory_space<vmem>>, vector<1x128x128xf32>
    %get3A_203 = vector.shape_cast %get3A_202 : vector<1x128x128xf32> to vector<128x128xf32>
    %dot_general3A_204 = arith.constant dense<0.000000e+00> : vector<1x128xf32>
    %dot_general3A_205 = tpu.matmul %add3A_198, %get3A_203, %dot_general3A_204 {dimension_numbers = #tpu.dot_dimension_numbers<[1], [0], [0], [1], [0, 0, 1, 1], [], []>, precision = #tpu.contract_precision<fp32>, transpose_lhs_hint = false} : vector<1x128xf32>, vector<128x128xf32>, vector<1x128xf32> -> vector<1x128xf32>
    %add3A_206 = arith.addf %add3A_185, %dot_general3A_205 : vector<1x128xf32>
    %get3A_207 = arith.constant 0 : index
    %get3A_208 = arith.constant 0 : index
    %get3A_209 = vector.load %arg4[%get3A_207, %get3A_208] : memref<1x128xf32, #tpu.memory_space<vmem>>, vector<1x128xf32>
    %add3A_210 = arith.addf %add3A_206, %get3A_209 : vector<1x128xf32>
    %swap3A = arith.index_cast %arg0 : i32 to index
    %swap3A_211 = arith.constant 0 : index
    %swap3A_212 = vector.load %arg5[%swap3A, %swap3A_211] : memref<8x128xf32, #tpu.memory_space<vmem>>, vector<1x128xf32>
    tpu.vector_store %arg5[%swap3A, %swap3A_211], %add3A_210 {strides = array<i32>} : memref<8x128xf32, #tpu.memory_space<vmem>>, vector<1x128xf32>,
    %reduce_max3A = vector.shape_cast %add3A_210 : vector<1x128xf32> to vector<1x1x128xf32>
    %reduce_max3A_213 = arith.constant dense<0xFF800000> : vector<1xf32>
    %reduce_max3A_214 = vector.multi_reduction <maximumf>, %reduce_max3A, %reduce_max3A_213 [1, 2] : vector<1x1x128xf32> to vector<1xf32>
    %reduce_max3A_215 = vector.shape_cast %reduce_max3A_214 : vector<1xf32> to vector<1x1x1xf32>
    %reduce_max3A_216 = vector.extract %reduce_max3A_215[0, 0, 0] : f32 from vector<1x1x1xf32>
    %sub3A_217 = vector.broadcast %reduce_max3A_216 : f32 to vector<1x128xf32>
    %sub3A_218 = arith.subf %add3A_210, %sub3A_217 : vector<1x128xf32>
    %exp3A = math.exp %sub3A_218 : vector<1x128xf32>
    %reduce_sum3A_219 = vector.shape_cast %exp3A : vector<1x128xf32> to vector<1x1x128xf32>
    %reduce_sum3A_220 = arith.constant dense<0.000000e+00> : vector<1xf32>
    %reduce_sum3A_221 = vector.multi_reduction <add>, %reduce_sum3A_219, %reduce_sum3A_220 [1, 2] : vector<1x1x128xf32> to vector<1xf32>
    %reduce_sum3A_222 = vector.shape_cast %reduce_sum3A_221 : vector<1xf32> to vector<1x1x1xf32>
    %reduce_sum3A_223 = vector.extract %reduce_sum3A_222[0, 0, 0] : f32 from vector<1x1x1xf32>
    %div3A = arith.constant 1.000000e+00 : f32
    %div3A_224 = arith.divf %div3A, %reduce_sum3A_223 : f32
    %iota3A = tpu.iota {dimensions = array<i32: 1>} : vector<1x128xi32>
    %eq3A = vector.broadcast %reduce_max3A_216 : f32 to vector<1x128xf32>
    %eq3A_225 = arith.cmpf oeq, %add3A_210, %eq3A : vector<1x128xf32>
    %jit3A = arith.constant 128 : i32
    %broadcast_in_dim3A_226 = vector.broadcast %jit3A : i32 to vector<1x128xi32>
    %select_n3A = arith.select %eq3A_225, %iota3A, %broadcast_in_dim3A_226 : vector<1x128xi1>, vector<1x128xi32>
    %reduce_min3A = vector.shape_cast %select_n3A : vector<1x128xi32> to vector<1x1x128xi32>
    %reduce_min3A_227 = arith.constant dense<2147483647> : vector<1xi32>
    %reduce_min3A_228 = vector.multi_reduction <minsi>, %reduce_min3A, %reduce_min3A_227 [1, 2] : vector<1x1x128xi32> to vector<1xi32>
    %reduce_min3A_229 = vector.shape_cast %reduce_min3A_228 : vector<1xi32> to vector<1x1x1xi32>
    %reduce_min3A_230 = vector.extract %reduce_min3A_229[0, 0, 0] : i32 from vector<1x1x1xi32>
    %broadcast_in_dim3A_231 = vector.broadcast %div3A_224 : f32 to vector<1x128xf32>
    %swap3A_232 = arith.index_cast %arg0 : i32 to index
    %swap3A_233 = arith.constant 0 : index
    %swap3A_234 = vector.load %arg6[%swap3A_232, %swap3A_233] : memref<8x128xf32, #tpu.memory_space<vmem>>, vector<1x128xf32>
    tpu.vector_store %arg6[%swap3A_232, %swap3A_233], %broadcast_in_dim3A_231 {strides = array<i32>} : memref<8x128xf32, #tpu.memory_space<vmem>>, vector<1x128xf32>,
    %broadcast_in_dim3A_235 = vector.broadcast %reduce_min3A_230 : i32 to vector<1x128xi32>
    %swap3A_236 = arith.index_cast %arg0 : i32 to index
    %swap3A_237 = arith.constant 0 : index
    %swap3A_238 = vector.load %arg7[%swap3A_236, %swap3A_237] : memref<8x128xi32, #tpu.memory_space<vmem>>, vector<1x128xi32>
    tpu.vector_store %arg7[%swap3A_236, %swap3A_237], %broadcast_in_dim3A_235 {strides = array<i32>} : memref<8x128xi32, #tpu.memory_space<vmem>>, vector<1x128xi32>,
    return
  }
  func.func @transform_0(%arg0: i32) -> (i32, i32, i32) {
    %c0_i32 = arith.constant 0 : i32
    %c0_i32_0 = arith.constant 0 : i32
    %c0_i32_1 = arith.constant 0 : i32
    return %arg0, %c0_i32, %c0_i32_0 : i32, i32, i32
  }
  func.func @transform_1(%arg0: i32) -> (i32, i32) {
    %c0_i32 = arith.constant 0 : i32
    %c0_i32_0 = arith.constant 0 : i32
    %c0_i32_1 = arith.constant 0 : i32
    return %c0_i32, %c0_i32_0 : i32, i32
  }
  func.func @transform_2(%arg0: i32) -> (i32, i32, i32) {
    %c0_i32 = arith.constant 0 : i32
    %c0_i32_0 = arith.constant 0 : i32
    %c0_i32_1 = arith.constant 0 : i32
    %c0_i32_2 = arith.constant 0 : i32
    return %c0_i32, %c0_i32_0, %c0_i32_1 : i32, i32, i32
  }
  func.func @transform_3(%arg0: i32) -> (i32, i32) {
    %c0_i32 = arith.constant 0 : i32
    %c0_i32_0 = arith.constant 0 : i32
    %c0_i32_1 = arith.constant 0 : i32
    return %c0_i32, %c0_i32_0 : i32, i32
  }
  func.func @transform_4(%arg0: i32) -> (i32, i32) {
    %c0_i32 = arith.constant 0 : i32
    %c0_i32_0 = arith.constant 0 : i32
    %c0_i32_1 = arith.constant 0 : i32
    return %c0_i32, %c0_i32_0 : i32, i32
  }
  func.func @transform_5(%arg0: i32) -> (i32, i32) {
    %c0_i32 = arith.constant 0 : i32
    %c0_i32_0 = arith.constant 0 : i32
    %c0_i32_1 = arith.constant 0 : i32
    return %c0_i32, %c0_i32_0 : i32, i32
  }
  func.func @transform_6(%arg0: i32) -> (i32, i32) {
    %c0_i32 = arith.constant 0 : i32
    %c0_i32_0 = arith.constant 0 : i32
    %c0_i32_1 = arith.constant 0 : i32
    return %c0_i32, %c0_i32_0 : i32, i32
  }
}

module attributes {stable_mosaic.version = 14 : i64} {
  func.func @_apply_body(%arg0: i32, %arg1: memref<8x128x128xf32, #tpu.memory_space<vmem>>, %arg2: memref<1x4096x128xf32, #tpu.memory_space<vmem>>, %arg3: memref<8x128xf32, #tpu.memory_space<vmem>>, %arg4: memref<8x128xf32, #tpu.memory_space<vmem>>, %arg5: memref<8x128xi32, #tpu.memory_space<vmem>>, %arg6: memref<1x4096x128xf32, #tpu.memory_space<vmem>>) attributes {dimension_semantics = [#tpu.dimension_semantics<arbitrary>], iteration_bounds = array<i64: 8>, scalar_prefetch = 0 : i64, scratch_operands = 0 : i64, tpu.core_type = #tpu.core_type<tc>, window_params = [{pipeline_mode = #tpu.pipeline_mode<synchronous>, transform_indices = @transform_0, window_bounds = array<i64: 8, 128, 128>}, {transform_indices = @transform_1, window_bounds = array<i64: 1, 4096, 128>}, {pipeline_mode = #tpu.pipeline_mode<synchronous>, transform_indices = @transform_2, window_bounds = array<i64: 8, 128>}, {pipeline_mode = #tpu.pipeline_mode<synchronous>, transform_indices = @transform_3, window_bounds = array<i64: 8, 128>}, {pipeline_mode = #tpu.pipeline_mode<synchronous>, transform_indices = @transform_4, window_bounds = array<i64: 8, 128>}, {transform_indices = @transform_5, window_bounds = array<i64: 1, 4096, 128>}]} {
    %get3A = arith.index_cast %arg0 : i32 to index
    %get3A_0 = arith.constant 0 : index
    %get3A_1 = vector.load %arg4[%get3A, %get3A_0] : memref<8x128xf32, #tpu.memory_space<vmem>>, vector<1x128xf32>
    %reduce_max3A = vector.shape_cast %get3A_1 : vector<1x128xf32> to vector<1x1x128xf32>
    %reduce_max3A_2 = arith.constant dense<0xFF800000> : vector<1xf32>
    %reduce_max3A_3 = vector.multi_reduction <maximumf>, %reduce_max3A, %reduce_max3A_2 [1, 2] : vector<1x1x128xf32> to vector<1xf32>
    %reduce_max3A_4 = vector.shape_cast %reduce_max3A_3 : vector<1xf32> to vector<1x1x1xf32>
    %reduce_max3A_5 = vector.extract %reduce_max3A_4[0, 0, 0] : f32 from vector<1x1x1xf32>
    %get3A_6 = arith.index_cast %arg0 : i32 to index
    %get3A_7 = arith.constant 0 : index
    %get3A_8 = vector.load %arg5[%get3A_6, %get3A_7] : memref<8x128xi32, #tpu.memory_space<vmem>>, vector<1x128xi32>
    %reduce_max3A_9 = vector.shape_cast %get3A_8 : vector<1x128xi32> to vector<1x1x128xi32>
    %reduce_max3A_10 = arith.constant dense<-2147483648> : vector<1xi32>
    %reduce_max3A_11 = vector.multi_reduction <maxsi>, %reduce_max3A_9, %reduce_max3A_10 [1, 2] : vector<1x1x128xi32> to vector<1xi32>
    %reduce_max3A_12 = vector.shape_cast %reduce_max3A_11 : vector<1xi32> to vector<1x1x1xi32>
    %reduce_max3A_13 = vector.extract %reduce_max3A_12[0, 0, 0] : i32 from vector<1x1x1xi32>
    %get3A_14 = arith.index_cast %reduce_max3A_13 : i32 to index
    %get3A_15 = arith.constant 0 : index
    %get3A_16 = arith.constant 0 : index
    %get3A_17 = vector.load %arg1[%get3A_14, %get3A_15, %get3A_16] : memref<8x128x128xf32, #tpu.memory_space<vmem>>, vector<1x128x128xf32>
    %get3A_18 = vector.shape_cast %get3A_17 : vector<1x128x128xf32> to vector<128x128xf32>
    %get3A_19 = arith.index_cast %reduce_max3A_13 : i32 to index
    %get3A_20 = arith.constant 0 : index
    %get3A_21 = vector.load %arg3[%get3A_19, %get3A_20] : memref<8x128xf32, #tpu.memory_space<vmem>>, vector<1x128xf32>
    %get3A_22 = arith.constant 0 : index
    %get3A_23 = arith.constant 0 : index
    %get3A_24 = arith.constant 0 : index
    %get3A_25 = vector.load %arg2[%get3A_22, %get3A_23, %get3A_24] : memref<1x4096x128xf32, #tpu.memory_space<vmem>>, vector<1x4096x128xf32>
    %get3A_26 = vector.shape_cast %get3A_25 : vector<1x4096x128xf32> to vector<4096x128xf32>
    %dot_general3A = arith.constant dense<0.000000e+00> : vector<4096x128xf32>
    %dot_general3A_27 = tpu.matmul %get3A_26, %get3A_18, %dot_general3A {dimension_numbers = #tpu.dot_dimension_numbers<[1], [0], [0], [1], [0, 0, 1, 1], [], []>, transpose_lhs_hint = false} : vector<4096x128xf32>, vector<128x128xf32>, vector<4096x128xf32> -> vector<4096x128xf32>
    %add3A = vector.broadcast %get3A_21 : vector<1x128xf32> to vector<4096x128xf32>
    %add3A_28 = arith.addf %dot_general3A_27, %add3A : vector<4096x128xf32>
    %mul3A = vector.broadcast %reduce_max3A_5 : f32 to vector<4096x128xf32>
    %mul3A_29 = arith.mulf %mul3A, %add3A_28 : vector<4096x128xf32>
    %swap3A = arith.constant 0 : index
    %swap3A_30 = arith.constant 0 : index
    %swap3A_31 = arith.constant 0 : index
    %swap3A_32 = vector.load %arg6[%swap3A, %swap3A_30, %swap3A_31] : memref<1x4096x128xf32, #tpu.memory_space<vmem>>, vector<1x4096x128xf32>
    %swap3A_33 = vector.shape_cast %swap3A_32 : vector<1x4096x128xf32> to vector<4096x128xf32>
    %swap3A_34 = vector.shape_cast %mul3A_29 : vector<4096x128xf32> to vector<1x4096x128xf32>
    tpu.vector_store %arg6[%swap3A, %swap3A_30, %swap3A_31], %swap3A_34 {strides = array<i32>} : memref<1x4096x128xf32, #tpu.memory_space<vmem>>, vector<1x4096x128xf32>,
    return
  }
  func.func @transform_0(%arg0: i32) -> (i32, i32, i32) {
    %c0_i32 = arith.constant 0 : i32
    %c0_i32_0 = arith.constant 0 : i32
    %c0_i32_1 = arith.constant 0 : i32
    %c0_i32_2 = arith.constant 0 : i32
    return %c0_i32, %c0_i32_0, %c0_i32_1 : i32, i32, i32
  }
  func.func @transform_1(%arg0: i32) -> (i32, i32, i32) {
    %c0_i32 = arith.constant 0 : i32
    %c0_i32_0 = arith.constant 0 : i32
    %c0_i32_1 = arith.constant 0 : i32
    return %arg0, %c0_i32, %c0_i32_0 : i32, i32, i32
  }
  func.func @transform_2(%arg0: i32) -> (i32, i32) {
    %c0_i32 = arith.constant 0 : i32
    %c0_i32_0 = arith.constant 0 : i32
    %c0_i32_1 = arith.constant 0 : i32
    return %c0_i32, %c0_i32_0 : i32, i32
  }
  func.func @transform_3(%arg0: i32) -> (i32, i32) {
    %c0_i32 = arith.constant 0 : i32
    %c0_i32_0 = arith.constant 0 : i32
    %c0_i32_1 = arith.constant 0 : i32
    return %c0_i32, %c0_i32_0 : i32, i32
  }
  func.func @transform_4(%arg0: i32) -> (i32, i32) {
    %c0_i32 = arith.constant 0 : i32
    %c0_i32_0 = arith.constant 0 : i32
    %c0_i32_1 = arith.constant 0 : i32
    return %c0_i32, %c0_i32_0 : i32, i32
  }
  func.func @transform_5(%arg0: i32) -> (i32, i32, i32) {
    %c0_i32 = arith.constant 0 : i32
    %c0_i32_0 = arith.constant 0 : i32
    %c0_i32_1 = arith.constant 0 : i32
    return %arg0, %c0_i32, %c0_i32_0 : i32, i32, i32
  }
}

</mosaic_0001>

<sc_bundles>
// kernel: kernel.5.cloned.1.call-start
scs
__scs_entry_jumppad:
0x0: {  	(pc) =	sbr.rel $0x88, $3  }
0x1: {  	(tag) =	ssettag $0x0;
	lr =	simm.s32 $0x1  }
0x2: {  	[smem:$0x3F9C] =	sst lr;
	_ =	strace $0xD0000000  }
0x3: {  	_ = 	snop  }
0x4: {  	_ = 	snop  }
0x5: {  	_ = 	snop  }
0x6: {  	_ = 	snop  }
0x7: {  	_ = 	snop  }
__scs_overlays_trampoline_lowered:
0x8: {  	[smem:$0x3FAB] =	sst s0  }
0x9: {  	[smem:$0x3FAC] =	sst s1  }
0xa: {  	[smem:$0x3FAD] =	sst s2  }
0xb: {  	[smem:$0x3FAE] =	sst s3  }
0xc: {  	[smem:$0x3FAF] =	sst s4  }
0xd: {  	[smem:$0x3FB0] =	sst s5  }
0xe: {  	[smem:$0x3FB1] =	sst s6  }
0xf: {  	[smem:$0x3FB2] =	sst s7  }
0x10: {  	[smem:$0x3FB3] =	sst s8  }
0x11: {  	[smem:$0x3FB4] =	sst s9;
	s0 =	simm.s32 @!p0 $0x0  }
0x12: {  	s1 =	sld [smem:$0x3F9A];
	s0 =	simm.s32 @p0 $0x1  }
0x13: {  	[smem:$0x3FB5] =	sst s0;
	s0 =	simm.s32 @!p1 $0x0  }
0x14: {  	s2 =	sld [smem:$0x3F99];
	s0 =	simm.s32 @p1 $0x1  }
0x15: {  	[smem:$0x3FB6] =	sst s0;
	s0 =	simm.s32 @!p2 $0x0  }
0x16: {  	s3 =	sld [smem:$0x3FDB];
	s0 =	simm.s32 @p2 $0x1  }
0x17: {  	s4 =	simm.s32 $0x1BF5;
	[smem:$0x3FB8] =	sst s0  }
0x18: {  	s0 =	sld [smem:$0x3F9B];
	_ =	swait.ge [sflag:s4], $0x0  }
0x19: {  	s7 =	sld [smem:$0x3F9C]  }
0x1a: {  	s8 =	sadd.s32 $0xFFFFE003, lr  }
0x1b: {  	s9 =	sadd.s32 $0xFFFFFEF7, lr;
	s5 =	simm.s32 $0xFFFFFFFF;
	p2 =	slt.u32 s8, $0xFFFFF086  }
0x1c: {  	p1 =	slt.u32 s9, $0xF7A;
	s5 =	simm.s32 @!p2 $0x0  }
0x1d: {  	s5 =	simm.s32 @p1 $0x1;
	p0 =	seq.s32 s7, s2  }
0x1e: {  	s7 =	smul.u32 @!p0 $0xF7A, s2;
	p2 =	seq.s32 @!p0 s5, $0x0  }
0x1f: {  	s9 =	smul.u32 $0xF7A, s1;
	s8 =	simm.s32 @!p0 $0x1BF5;
	p2 =	por !p2, p0  }
0x20: {  	[sflag:s8] =	ssyncset.s32 @!p0 $0xFFFFF086;
	s6 =	sadd.s32 @!p0 s3, s7;
	s7 =	simm.s32 @!p0 $0x108  }
0x21: {  	s3 =	sadd.s32 s3, s9;
	s6 =	sadd.s32 @!p0 $0x88, s6;
	s7 =	simm.s32 @p2 $0x1082  }
0x22: {  	[simem:s7], [sflag:s8] =	dma.local @!p0 [hbm:s6], $0xF7A  }
0x23: {  	s9 =	sor.u32 $0xD0000000, s2;
	s6 =	simm.s32 $0x108;
	_ =	swait.ge @!p0 [sflag:s8], $0x0  }
0x24: {  	s3 =	sadd.s32 $0x88, s3;
	s6 =	simm.s32 @!p1 $0x1082;
	[sflag:s4] =	ssyncset.s32 $0xFFFFF086  }
0x25: {  	[simem:s6], [sflag:s4] =	dma.local [hbm:s3], $0xF7A  }
0x26: {  	[smem:$0x3F9C] =	sst s1;
	(tag) =	ssettag s2;
	_ =	strace s9  }
0x27: {  	s1 =	sld [smem:$0x3FAC]  }
0x28: {  	s2 =	sld [smem:$0x3FAD]  }
0x29: {  	s4 =	sld [smem:$0x3FAF]  }
0x2a: {  	p0 =	seq.s32 s5, $0x0;
	s5 =	sld [smem:$0x3FB0]  }
0x2b: {  	s6 =	sld [smem:$0x3FB1]  }
0x2c: {  	s7 =	sld [smem:$0x3FB2]  }
0x2d: {  	s3 =	simm.s32 $0x108;
	s8 =	sld [smem:$0x3FB3]  }
0x2e: {  	s3 =	simm.s32 @!p0 $0x1082;
	s9 =	sld [smem:$0x3FB4]  }
0x2f: {  	lr =	sadd.s32 s0, s3;
	s0 =	sld [smem:$0x3FAB]  }
0x30: {  	s3 =	sld [smem:$0x3FAE]  }
0x31: {  	[smem:$0x3FB7] =	sst s10  }
0x32: {  	s10 =	sld [smem:$0x3FB5];
	_ =	sdelay $0x3  }
0x33: {  	p0 =	seq.s32 s10, $0x1;
	s10 =	sld [smem:$0x3FB7];
	_ =	sdelay $0x3  }
0x34: {  	[smem:$0x3FB7] =	sst s10  }
0x35: {  	s10 =	sld [smem:$0x3FB6];
	_ =	sdelay $0x3  }
0x36: {  	p1 =	seq.s32 s10, $0x1;
	s10 =	sld [smem:$0x3FB7];
	_ =	sdelay $0x3  }
0x37: {  	[smem:$0x3FB7] =	sst s10  }
0x38: {  	s10 =	sld [smem:$0x3FB8]  }
0x39: {  	_ = 	snop;
	(pc) =	sbr.ind lr, $3  }
0x3a: {  	_ = 	snop  }
0x3b: {  	_ = 	snop  }
0x3c: {  	p2 =	seq.s32 s10, $0x1;
	s10 =	sld [smem:$0x3FB7]  }
0x3d: {  	_ =	shalt  }
0x3e: {  	_ =	shalt  }
0x3f: {  	_ =	shalt  }
0x40: {  	_ =	shalt  }
0x41: {  	_ =	shalt  }
0x42: {  	_ =	shalt  }
0x43: {  	_ =	shalt  }
0x44: {  	_ =	shalt  }
0x45: {  	_ =	shalt  }
0x46: {  	_ =	shalt  }
0x47: {  	_ =	shalt  }
0x48: {  	_ =	shalt  }
0x49: {  	_ =	shalt  }
0x4a: {  	_ =	shalt  }
0x4b: {  	_ =	shalt  }
0x4c: {  	_ =	shalt  }
0x4d: {  	_ =	shalt  }
0x4e: {  	_ =	shalt  }
0x4f: {  	_ =	shalt  }
0x50: {  	_ =	shalt  }
0x51: {  	_ =	shalt  }
0x52: {  	_ =	shalt  }
0x53: {  	_ =	shalt  }
0x54: {  	_ =	shalt  }
0x55: {  	_ =	shalt  }
0x56: {  	_ =	shalt  }
0x57: {  	_ =	shalt  }
0x58: {  	_ =	shalt  }
0x59: {  	_ =	shalt  }
0x5a: {  	_ =	shalt  }
0x5b: {  	_ =	shalt  }
0x5c: {  	_ =	shalt  }
0x5d: {  	_ =	shalt  }
0x5e: {  	_ =	shalt  }
0x5f: {  	_ =	shalt  }
0x60: {  	_ =	shalt  }
0x61: {  	_ =	shalt  }
0x62: {  	_ =	shalt  }
0x63: {  	_ =	shalt  }
0x64: {  	_ =	shalt  }
0x65: {  	_ =	shalt  }
0x66: {  	_ =	shalt  }
0x67: {  	_ =	shalt  }
0x68: {  	_ =	shalt  }
0x69: {  	_ =	shalt  }
0x6a: {  	_ =	shalt  }
0x6b: {  	_ =	shalt  }
0x6c: {  	_ =	shalt  }
0x6d: {  	_ =	shalt  }
0x6e: {  	_ =	shalt  }
0x6f: {  	_ =	shalt  }
0x70: {  	_ =	shalt  }
0x71: {  	_ =	shalt  }
0x72: {  	_ =	shalt  }
0x73: {  	_ =	shalt  }
0x74: {  	_ =	shalt  }
0x75: {  	_ =	shalt  }
0x76: {  	_ =	shalt  }
0x77: {  	_ =	shalt  }
0x78: {  	_ =	shalt  }
0x79: {  	_ =	shalt  }
0x7a: {  	_ =	shalt  }
0x7b: {  	_ =	shalt  }
0x7c: {  	_ =	shalt  }
0x7d: {  	_ =	shalt  }
0x7e: {  	_ =	shalt  }
0x7f: {  	_ =	shalt  }
0x80: {  	_ =	shalt  }
0x81: {  	_ =	shalt  }
0x82: {  	_ =	shalt  }
0x83: {  	_ =	shalt  }
0x84: {  	_ =	shalt  }
0x85: {  	_ =	shalt  }
0x86: {  	_ =	shalt  }
0x87: {  	_ =	shalt  }
.Lfunc_end0:
.L_simem_size_0:
called_computation_lowered:
.L_overlay_start_0:
0x88: {  	s2 =	sld [smem:$0x3FD9]  }
0x89: {  	s3 =	sld [smem:$0x3FFE];
	_ =	sdelay $0x1  }
0x8a: {  	s1 =	srdreg.scid  }
0x8b: {  	s0 =	sand.u32 $0x1, s1  }
0x8c: {  	s14 =	sshll.u32 s0, $0xA;
	s2 =	sadd.s32 s3, s2  }
0x8d: {  	s2 =	sadd.s32 s2, s14  }
0x8e: {  	[smem:$0x3FC3] =	sst s2  }
0x8f: {  	_ = 	snop  }
0x90: {  	s2 =	sld [smem:$0x3FD0];
	_ =	sdelay $0x2  }
0x91: {  	s15 =	simm.s32 $0xA;
	s4 =	simm.s32 $0x10  }
0x92: {  	[smem:s4], [sflag:s15] =	dma.local [hbm:s2], $0x1  }
0x93: {  	_ =	swait.eq [sflag:s15], $0x1  }
0x94: {  	[sflag:s15] =	ssyncset.done $0x0  }
0x95: {  	[sflag:s15] =	ssyncadd.s32 $0xFFFFFFFF  }
0x96: {  	s16 =	sld [smem:$0x11];
	(tm) =	ssettm $0x1  }
0x97: {  	s17 =	sld [smem:$0x3FFB];
	_ =	sdelay $0x3  }
0x98: {  	_ =	strace s17  }
0x99: {  	s3 =	sld [smem:$0x3FFC];
	_ =	sdelay $0x3  }
0x9a: {  	_ =	strace s3  }
0x9b: {  	s3 =	sld [smem:$0x3FFD];
	_ =	sdelay $0x3  }
0x9c: {  	_ =	strace s3  }
0x9d: {  	_ =	strace $0x8FFFFFFF  }
0x9e: {  	s18 =	sld [smem:$0x3FDB];
	_ =	sdelay $0x1  }
0x9f: {  	s19 =	simm.s32 $_scs_section_size  }
0xa0: {  	s5 =	simm.s32 $_size__tile_overlayer_lowered;
	s6 =	simm.s32 $_tile_overlayer_lowered  }
0xa1: {  	s22 =	simm.s32 $0x1BFF;
	s21 =	sshll.u32 s6, $0x1;
	s3 =	sadd.s32 s19, s18  }
0xa2: {  	s7 =	simm.s32 $0x0;
	s20 =	sshll.u32 s5, $0x1;
	s5 =	sadd.s32 s21, s3  }
0xa3: {  	[timem:s7], [sflag:s22] =	dma.local [hbm:s5], s20  }
0xa4: {  	_ =	swait.ge [sflag:s22], s20  }
0xa5: {  	s4 =	ssub.s32 $0x0, s20;
	[sflag:s22] =	ssyncset.done $0x0  }
0xa6: {  	[sflag:s22] =	ssyncadd.s32 s4;
	_ =	sdelay $0x1  }
0xa7: {  	s23 =	simm.s32 $0x1B8B  }
0xa8: {  	_ =	swait.ge [sflag:s23], $0x1  }
0xa9: {  	[sflag:s23] =	ssyncset.done $0x0  }
0xaa: {  	s25 =	simm.s32 $0x1B8E;
	s24 =	sld [smem:$0x3FFE];
	[sflag:s23] =	ssyncadd.s32 $0xFFFFFFFF  }
0xab: {  	s26 =	simm.s32 $execute0_lowered;
	[smem:$0x3FD2] =	sst s25  }
0xac: {  	s5 =	sshll.u32 s26, $0x1;
	_ =	strace $0x80000046;
	[dreg:$0x1] =	wrdreg $0xFFFFFFFF  }
0xad: {  	s28 =	simm.s32 $_size_execute0_lowered;
	s3 =	sadd.s32 s3, s5;
	[dreg:$0x0] =	wrdreg $0x0  }
0xae: {  	s5 =	sshll.u32 s28, $0x1;
	[dreg:$0x2] =	wrdreg s3  }
0xaf: {  	[dreg:$0x3] =	wrdreg s5  }
0xb0: {  	[dreg:$0x4] =	wrdreg $0xC0  }
0xb1: {  	_ =	task [dreg:s7], $0x5FFFF  }
0xb2: {  	[dreg:$0x1] =	wrdreg $0xFFFFFFFF  }
0xb3: {  	[dreg:$0x0] =	wrdreg $0x60  }
0xb4: {  	[dreg:$0x2] =	wrdreg s24  }
0xb5: {  	[dreg:$0x3] =	wrdreg s16  }
0xb6: {  	[dreg:$0x4] =	wrdreg $0x9  }
0xb7: {  	_ =	task.clear_ibuf [dreg:s7], $0x5FFFF;
	_ =	strace $0x90000046  }
0xb8: {  	s29 =	simm.s32 $0x9;
	_ =	strace $0x80000048  }
0xb9: {  	_ =	swait.ge [sflag:s29], $0x1  }
0xba: {  	[sflag:s29] =	ssyncadd.s32 $0xFFFFFFFF  }
0xbb: {  	_ =	strace $0x90000048  }
0xbc: {  	_ =	sfence  }
0xbd: {  	s30 =	sld [smem:$0x0];
	_ =	sdelay $0x2  }
0xbe: {  	s31 =	sshll.u32 s1, $0xD;
	s1 =	sshrl.u32 s1, $0x2  }
0xbf: {  	s3 =	sand.u32 $0x4000, s31;
	s1 =	sadd.s32 s1, s30  }
0xc0: {  	s0 =	sor.u32 s3, s0;
	s1 =	sshll.u32 s1, $0x11  }
0xc1: {  	s0 =	sor.u32 s1, s0  }
0xc2: {  	s0 =	sadd.s32 $0x8F2B, s0  }
0xc3: {  	[sflag:s0] =	ssyncadd.remote.s32 $0x1  }
0xc4: {  	_ =	sfence.sel $0xFFFF  }
0xc5: {  	[dreg:$0x0] =	wrdreg $0xFFFFFFFF;
	(pc) =	sbr.abs _section_cstart, $3  }
0xc6: {  	[dreg:$0x1] =	wrdreg $0xFFFFFFFF  }
0xc7: {  	_ =	task.clear_ibuf [dreg:s7], $0x2FFFF;
	_ =	strace $0x9FFFFFFF  }
0xc8: {  	(tm) =	ssettm $0x7FFFFFFF  }
0xc9: {  	_ =	shalt  }
tec
execute0_lowered:
.L_overlay_start_1:
0x0: {  	(tag) =	ssettag $0x1  }
0x1: {  	s1 =	stileid.u32  }
0x2: {  	p0 =	sgt.u32 s1, $0x3  }
.Ltmp0:
0x3: {  	_ = 	snop;
	(pc) =	sbr.rel @p0 .LBB2_4-.Ltmp0, $4  }
0x4: {  	s3 =	rddreg [dreg:$0x0]  }
0x5: {  	s5 =	rddreg [dreg:$0x1];
	s2 =	simm.s32 $0x0  }
0x6: {  	[smem:$0x7FF] =	sst s2  }
0x7: {  	s0 =	rddreg [dreg:$0x2];
	_ =	strace $0x80000047  }
0x8: {  	s4 =	srdreg.scid  }
0x9: {  	s7 =	sand.u32 $0x1, s4  }
0xa: {  	s31 =	sshll.u32 s1, $0x5;
	s6 =	sshll.u32 s7, $0x4  }
0xb: {  	s3 =	sadd.s32 $0x1200, s3;
	s6 =	sor.u32 s6, s31  }
0xc: {  	s4 =	sadd.s32 s3, s6;
	s3 =	simm.s32 $0x1  }
0xd: {  	[tilespmem:s2], [sflag:$0x1] =	stream.linear.gather [hbm4b:s4+s2], $0x10, $0x38;
	[tilespmem:$0x100] =	vst v63  }
0xe: {  	v0 =	vimm.s32 $0xEFCDAB89;
	v1 =	vimm.s32 $0x67452301;
	v2 =	vimm.s32 $0xDCFE98BA;
	_ =	swait.ge [sflag:s3], $0x10  }
0xf: {  	v3 =	vimm.s32 $0x54761032;
	v0 =	vunpack.c.l.s4.s8 v0;
	v1 =	vunpack.c.l.s4.s8 v1;
	[sflag:s3] =	ssyncset.done $0x0  }
0x10: {  	v2 =	vunpack.c.l.s4.s8 v2;
	v3 =	vunpack.c.l.s4.s8 v3;
	[sflag:s3] =	ssyncadd.s32 $0xFFFFFFF0  }
0x11: {  	v0 =	vunpack.c.0.s8.s32 v0;
	v1 =	vunpack.c.0.s8.s32 v1;
	v5 =	vld [tilespmem:$0x0]  }
0x12: {  	v2 =	vunpack.c.0.s8.s32 v2;
	v3 =	vunpack.c.0.s8.s32 v3  }
0x13: {  	v0 =	vcombine.low v1, v0  }
0x14: {  	v1 =	vcombine.low v3, v2;
	v2 =	vimm.s32 $0xBA98FEDC;
	v3 =	vimm.s32 $0x32107654  }
0x15: {  	v2 =	vunpack.c.l.s4.s8 v2;
	v3 =	vunpack.c.l.s4.s8 v3;
	v0 =	vand.u32 $0xF, v0  }
0x16: {  	v6 =	vimm.s32 $0xFEDCBA98;
	v4 =	vperm.xlane v5, v0  }
0x17: {  	v7 =	vimm.s32 $0x76543210;
	v2 =	vunpack.c.0.s8.s32 v2;
	v3 =	vunpack.c.0.s8.s32 v3  }
0x18: {  	v6 =	vunpack.c.l.s4.s8 v6;
	v1 =	vand.u32 $0xF, v1;
	v4 =	vmax.f32 v5, v4  }
0x19: {  	v2 =	vcombine.low v3, v2;
	v3 =	vunpack.c.l.s4.s8 v7;
	v7 =	vperm.xlane v4, v1  }
0x1a: {  	v6 =	vunpack.c.0.s8.s32 v6  }
0x1b: {  	v2 =	vand.u32 $0xF, v2;
	v3 =	vunpack.c.0.s8.s32 v3;
	v4 =	vmax.f32 v4, v7  }
0x1c: {  	v6 =	vand.u32 $0xF, v6;
	v7 =	vperm.xlane v4, v2  }
0x1d: {  	v3 =	vcombine.low v6, v3  }
0x1e: {  	v4 =	vmax.f32 v4, v7  }
0x1f: {  	v6 =	vperm.xlane v4, v3;
	_ =	sdelay $0x1  }
0x20: {  	v6 =	vmax.f32 v4, v6  }
0x21: {  	v4 =	vsub.f32 v5, v6;
	_ =	sdelay $0x1  }
0x22: {  	v4 =	vmul.f32 $1.442695020e+00, v4;
	_ =	sdelay $0x1  }
0x23: {  	(erf) = vpow2.f32 v4;
	_ =	sdelay $0x8  }
0x24: {  	v4 =	vpop (erf)  }
0x25: {  	v7 =	vperm.xlane v4, v0;
	_ =	sdelay $0x1  }
0x26: {  	v4 =	vadd.f32 v4, v7;
	_ =	sdelay $0x1  }
0x27: {  	v7 =	vperm.xlane v4, v1;
	_ =	sdelay $0x1  }
0x28: {  	vm0 =	veq.f32 v5, v6;
	v7 =	vadd.f32 v4, v7;
	v4 =	vlaneseq.u32  }
0x29: {  	v5 =	vnsel vm0, $0x10, v4  }
0x2a: {  	v6 =	vperm.xlane v7, v2;
	v8 =	vperm.xlane v5, v0;
	_ =	sdelay $0x1  }
0x2b: {  	v6 =	vadd.f32 v7, v6;
	vm0 =	vlt.s32 v5, v8  }
0x2c: {  	v5 =	vsel vm0, v5, v8  }
0x2d: {  	v7 =	vperm.xlane v6, v3;
	v8 =	vperm.xlane v5, v1;
	_ =	sdelay $0x1  }
0x2e: {  	v6 =	vadd.f32 v6, v7;
	vm0 =	vlt.s32 v5, v8  }
0x2f: {  	v5 =	vsel vm0, v5, v8  }
0x30: {  	(erf) = vrcp.f32 v6;
	v6 =	vperm.xlane v5, v2;
	_ =	sdelay $0x1  }
0x31: {  	vm0 =	vlt.s32 v5, v6  }
0x32: {  	v5 =	vsel vm0, v5, v6  }
0x33: {  	v6 =	vperm.xlane v5, v3;
	_ =	sdelay $0x1  }
0x34: {  	s7 =	ssub.s32 $0x2, s7;
	vm0 =	vlt.s32 v5, v6  }
0x35: {  	s8 =	sshrl.u32 s7, $0x1;
	v5 =	vsel vm0, v5, v6  }
0x36: {  	s7 =	ssub.s32 s7, s8  }
0x37: {  	s7 =	smax.u32 s7, $0x1  }
0x38: {  	p0 =	sne.s32 s7, $0x1;
	vm0 =	veq.s32 v5, v4;
	v5 =	vpop (erf)  }
.Ltmp1:
0x39: {  	v5 =	vnsel vm0, $0x0, v5;
	(pc) =	sbr.rel @!p0 .LBB2_3-.Ltmp1, $4  }
0x3a: {  	s5 =	sadd.s32 s5, s6;
	s6 =	simm.s32 $0x80;
	[tilespmem:$0x80] =	vst v5  }
0x3b: {  	[hbm4b:s5+s2] =	stream.linear.scatter [tilespmem:s6], [sflag:$0x1], $0x80, $0x38;
	[tilespmem:$0x100] =	vst v63  }
0x3c: {  	_ =	swait.ge [sflag:s3], $0x80  }
0x3d: {  	s7 =	sadd.s32 $0xFFFFFFFF, s7;
	[sflag:s3] =	ssyncset.done $0x0  }
.LBB2_2:
0x3e: {  	p0 =	sne.s32 s7, $0x1;
	s7 =	sadd.s32 $0xFFFFFFFF, s7;
	[sflag:s3] =	ssyncadd.s32 $0xFFFFFF80  }
0x3f: {  	[tilespmem:s2], [sflag:$0x1] =	stream.linear.gather [hbm4b:s4+s2], $0x10, $0x38;
	[tilespmem:$0x100] =	vst v63  }
0x40: {  	_ =	swait.ge [sflag:s3], $0x10  }
0x41: {  	[sflag:s3] =	ssyncset.done $0x0  }
0x42: {  	[sflag:s3] =	ssyncadd.s32 $0xFFFFFFF0  }
0x43: {  	v5 =	vld [tilespmem:$0x0];
	_ =	sdelay $0x4  }
0x44: {  	v6 =	vperm.xlane v5, v0;
	_ =	sdelay $0x1  }
0x45: {  	v6 =	vmax.f32 v5, v6  }
0x46: {  	v7 =	vperm.xlane v6, v1;
	_ =	sdelay $0x1  }
0x47: {  	v6 =	vmax.f32 v6, v7  }
0x48: {  	v7 =	vperm.xlane v6, v2;
	_ =	sdelay $0x1  }
0x49: {  	v6 =	vmax.f32 v6, v7  }
0x4a: {  	v7 =	vperm.xlane v6, v3;
	_ =	sdelay $0x1  }
0x4b: {  	v6 =	vmax.f32 v6, v7  }
0x4c: {  	v7 =	vsub.f32 v5, v6;
	vm0 =	veq.f32 v5, v6  }
0x4d: {  	v5 =	vnsel vm0, $0x10, v4  }
0x4e: {  	v6 =	vmul.f32 $1.442695020e+00, v7;
	v7 =	vperm.xlane v5, v0;
	_ =	sdelay $0x1  }
0x4f: {  	vm0 =	vlt.s32 v5, v7;
	(erf) = vpow2.f32 v6  }
0x50: {  	v5 =	vsel vm0, v5, v7  }
0x51: {  	v6 =	vperm.xlane v5, v1;
	_ =	sdelay $0x1  }
0x52: {  	vm0 =	vlt.s32 v5, v6  }
0x53: {  	v5 =	vsel vm0, v5, v6  }
0x54: {  	v7 =	vperm.xlane v5, v2;
	_ =	sdelay $0x1  }
0x55: {  	vm0 =	vlt.s32 v5, v7  }
0x56: {  	v5 =	vsel vm0, v5, v7;
	v6 =	vpop (erf)  }
0x57: {  	v7 =	vperm.xlane v6, v0;
	v8 =	vperm.xlane v5, v3;
	_ =	sdelay $0x1  }
0x58: {  	v6 =	vadd.f32 v6, v7;
	vm0 =	vlt.s32 v5, v8  }
0x59: {  	v5 =	vsel vm0, v5, v8  }
0x5a: {  	v7 =	vperm.xlane v6, v1;
	_ =	sdelay $0x1  }
0x5b: {  	v6 =	vadd.f32 v6, v7;
	_ =	sdelay $0x1  }
0x5c: {  	v7 =	vperm.xlane v6, v2;
	_ =	sdelay $0x1  }
0x5d: {  	v6 =	vadd.f32 v6, v7;
	_ =	sdelay $0x1  }
0x5e: {  	v7 =	vperm.xlane v6, v3;
	_ =	sdelay $0x1  }
0x5f: {  	v6 =	vadd.f32 v6, v7;
	_ =	sdelay $0x1  }
0x60: {  	(erf) = vrcp.f32 v6;
	_ =	sdelay $0x8  }
0x61: {  	vm0 =	veq.s32 v5, v4;
	v5 =	vpop (erf)  }
.Ltmp2:
0x62: {  	v5 =	vnsel vm0, $0x0, v5;
	(pc) =	sbr.rel @p0 .LBB2_2-.Ltmp2, $4  }
0x63: {  	[tilespmem:$0x80] =	vst v5  }
0x64: {  	[hbm4b:s5+s2] =	stream.linear.scatter [tilespmem:s6], [sflag:$0x1], $0x80, $0x38;
	[tilespmem:$0x100] =	vst v63  }
0x65: {  	_ =	swait.ge [sflag:s3], $0x80  }
0x66: {  	[sflag:s3] =	ssyncset.done $0x0  }
.LBB2_3:
0x67: {  	[sflag:s3] =	ssyncadd.s32 $0xFFFFFF80  }
.LBB2_4:
0x68: {  	_ =	sfence.sel $0x180000  }
0x69: {  	[bflag:$0x0] =	sbarrier.arrive $0xFFFF  }
0x6a: {  	p0 =	sne.s32 s1, $0x0;
	_ =	strace $0x90000047  }
0x6b: {  	s0 =	sadd.s32 @!p0 $0x100000, s0;
	[bflag:$0x2] =	sbarrier.arrive $0xFFFF  }
0x6c: {  	[sflag:s0] =	ssyncadd.tile.s32 @!p0 $0x1;
	_ =	shalt  }
.Lfunc_end2:
_tile_overlayer_lowered:
.L_overlay_start_2:
0x6d: {  	(tag) =	ssettag $0x2  }
0x6e: {  	s0 =	rddreg [dreg:$0x0];
	s2 =	stileid.u32  }
0x6f: {  	s1 =	rddreg [dreg:$0x1];
	p0 =	sne.s32 s2, $0x0  }
0x70: {  	s3 =	rddreg [dreg:$0x2];
	[bflag:$0x3] =	sbarrier.arrive $0xFFFF;
	s2 =	simm.s32 @!p0 $0x1C01  }
0x71: {  	[timem:s3], [sflag:s2] =	dma.local @!p0 [hbm:s0], s1  }
0x72: {  	s0 =	simm.s32 @!p0 $0x1  }
0x73: {  	_ =	swait.ge @!p0 [sflag:s0], s1  }
0x74: {  	s1 =	ssub.s32 @!p0 $0x0, s1;
	[sflag:s0] =	ssyncset.done @!p0 $0x0  }
0x75: {  	[sflag:s0] =	ssyncadd.s32 @!p0 s1  }
0x76: {  	[bflag:$0x3] =	sbarrier.arrive $0xFFFF  }
0x77: {  	_ =	shalt  }

</sc_bundles>
